<compile_context>
chip_gen: v7x
topology: tpu7x:2x2x1
jax: 0.10.2.dev20260603
libtpu: 0.0.44.dev20260713+nightly
codegen_flags: <defaults>
</compile_context>

<pallas_src>
import jax
import jax.numpy as jnp
from jax import lax
from jax.experimental import pallas as pl
from jax.experimental.pallas import tpu as pltpu
from jax.experimental.pallas import tpu_sc as plsc

N = 50000
D = 64
E = 800000
F = 32
NC = 2
NS = 16
L = 16

NP = 51200
RT = NP // NS
RB = 128
NRB = RT // RB
EPT = E // NS
EB = 400
NEB = EPT // EB
EBD = 2000
NEBD = EPT // EBD


def _rsqrt16(d):
    xi = lax.bitcast_convert_type(d, jnp.int32)
    xi = jnp.int32(0x5F3759DF) - lax.shift_right_arithmetic(xi, 1)
    r = lax.bitcast_convert_type(xi, jnp.float32)
    for _ in range(3):
        r = r * (1.5 - 0.5 * d * r * r)
    return jnp.where(d > 0, r, 0.0)


def _body(xs, srcb, dstb, out, y0, h1, yy,
          acc, degs, sidx, didx, didx_d, rows, dis_t, zrow, gsem, ssem):
    c = lax.axis_index("c")
    t = lax.axis_index("s")
    z16 = jnp.zeros((L,), jnp.float32)
    scope = jax.named_scope

    xc = xs.at[c]
    y0c = y0.at[c]
    h1c = h1.at[c]
    yyc = yy.at[c]
    outc = out.at[c]
    nbase = t * RT
    ebase = t * EPT

    blk_a = rows.at[pl.ds(0, RB)]
    blk_b = rows.at[pl.ds(RB, RB)]
    blk_c = rows.at[pl.ds(2 * RB, RB)]

    def _dv(il):
        return plsc.load_gather(dis_t, [jnp.full((L,), il, jnp.int32)])

    def _init_zrow(i, _):
        zrow[i, pl.ds(0, L)] = z16
        zrow[i, pl.ds(L, L)] = z16
        return 0
    lax.fori_loop(0, RB, _init_zrow, 0)

    def _init_dis(i, _):
        dis_t[pl.ds(i * L, L)] = z16
        return 0
    lax.fori_loop(0, RT // L, _init_dis, 0)

    def _zero_acc(b, _):
        pltpu.sync_copy(zrow, acc.at[pl.ds(nbase + b * RB, RB)])
        return 0

    with scope("ph_zero"):
        lax.fori_loop(0, NRB, _zero_acc, 0)
        pltpu.sync_copy(dis_t, degs.at[pl.ds(nbase, RT)])
        plsc.subcore_barrier()

    def _init_ones(i, _):
        dis_t[pl.ds(i * L, L)] = jnp.full((L,), 1.0, jnp.float32)
        return 0
    lax.fori_loop(0, EBD // L, _init_ones, 0)

    def _deg_blk(b, _):
        pltpu.sync_copy(dstb.at[pl.ds(ebase + b * EBD, EBD)], didx_d)
        pltpu.sync_copy(dis_t.at[pl.ds(0, EBD)], degs.at[didx_d], add=True)
        return 0

    with scope("ph_deg"):
        lax.fori_loop(0, NEBD, _deg_blk, 0)
        plsc.subcore_barrier()

    def _dis_blk(i, _):
        d = dis_t[pl.ds(i * L, L)]
        dis_t[pl.ds(i * L, L)] = _rsqrt16(d)
        return 0

    with scope("ph_dis"):
        pltpu.sync_copy(degs.at[pl.ds(nbase, RT)], dis_t)
        lax.fori_loop(0, RT // L, _dis_blk, 0)

    def _scale_blk(b, _):
        gbase = nbase + b * RB
        pltpu.sync_copy(xc.at[pl.ds(gbase, RB)], blk_a)

        def _row(r, _):
            dv = _dv(b * RB + r)
            blk_b[r, pl.ds(0, L)] = blk_a[r, pl.ds(0, L)] * dv
            blk_b[r, pl.ds(L, L)] = blk_a[r, pl.ds(L, L)] * dv
            return 0
        lax.fori_loop(0, RB, _row, 0)
        pltpu.sync_copy(blk_b, y0c.at[pl.ds(gbase, RB)])
        return 0

    with scope("ph_scale"):
        lax.fori_loop(0, NRB, _scale_blk, 0)
        plsc.subcore_barrier()

    def _spass(ysrc):
        def _edge_blk(b, _):
            eb0 = ebase + b * EB
            pltpu.sync_copy(srcb.at[pl.ds(eb0, EB)], sidx)
            pltpu.sync_copy(dstb.at[pl.ds(eb0, EB)], didx)
            pltpu.async_copy(ysrc.at[sidx], rows, gsem).wait()
            pltpu.async_copy(rows, acc.at[didx], ssem, add=True).wait()
            return 0

        with scope("ph_spass"):
            lax.fori_loop(0, NEB, _edge_blk, 0)
            plsc.subcore_barrier()

    _spass(y0c)

    def _ep1_blk(b, _):
        gbase = nbase + b * RB
        pltpu.sync_copy(acc.at[pl.ds(gbase, RB)], blk_a)
        pltpu.sync_copy(zrow, acc.at[pl.ds(gbase, RB)])

        def _row(r, _):
            dv = _dv(b * RB + r)
            for h in range(2):
                hv = blk_a[r, pl.ds(h * L, L)] * dv
                blk_b[r, pl.ds(h * L, L)] = hv
                blk_c[r, pl.ds(h * L, L)] = hv * dv
            return 0
        lax.fori_loop(0, RB, _row, 0)
        pltpu.sync_copy(blk_b, h1c.at[pl.ds(gbase, RB)])
        pltpu.sync_copy(blk_c, yyc.at[pl.ds(gbase, RB)])
        return 0

    with scope("ph_ep1"):
        lax.fori_loop(0, NRB, _ep1_blk, 0)
        plsc.subcore_barrier()

    _spass(yyc)

    def _ep2_blk(b, _):
        gbase = nbase + b * RB
        pltpu.sync_copy(acc.at[pl.ds(gbase, RB)], blk_a)
        pltpu.sync_copy(xc.at[pl.ds(gbase, RB)], blk_b)
        pltpu.sync_copy(h1c.at[pl.ds(gbase, RB)], blk_c)

        def _row(r, _):
            dv = _dv(b * RB + r)
            third = jnp.float32(1.0 / 3.0)
            for h in range(2):
                z2 = blk_a[r, pl.ds(h * L, L)]
                xv = blk_b[r, pl.ds(h * L, L)]
                hv = blk_c[r, pl.ds(h * L, L)]
                blk_a[r, pl.ds(h * L, L)] = (xv + hv + z2 * dv) * third
            return 0
        lax.fori_loop(0, RB, _row, 0)
        pltpu.sync_copy(blk_a, outc.at[pl.ds(gbase, RB)])
        return 0

    with scope("ph_ep2"):
        lax.fori_loop(0, NRB, _ep2_blk, 0)


_mesh = plsc.VectorSubcoreMesh(
    core_axis_name="c", subcore_axis_name="s", num_cores=NC, num_subcores=NS)

_half = jax.ShapeDtypeStruct((NC, NP, F), jnp.float32)

_gcn = pl.kernel(
    _body,
    out_type=(_half, _half, _half, _half),
    mesh=_mesh,
    scratch_types=[
        pltpu.VMEM_SHARED((NP, F), jnp.float32),
        pltpu.VMEM_SHARED((NP,), jnp.float32),
        pltpu.VMEM((EB,), jnp.int32),
        pltpu.VMEM((EB,), jnp.int32),
        pltpu.VMEM((EBD,), jnp.int32),
        pltpu.VMEM((EB, F), jnp.float32),
        pltpu.VMEM((RT,), jnp.float32),
        pltpu.VMEM((RB, F), jnp.float32),
        pltpu.SemaphoreType.DMA,
        pltpu.SemaphoreType.DMA,
    ],
    compiler_params=pltpu.CompilerParams(
        needs_layout_passes=False, use_tc_tiling_on_sc=False),
)


@jax.jit
def kernel(x, edge_index):
    src = edge_index[0].astype(jnp.int32)
    dst = edge_index[1].astype(jnp.int32)
    xp = jnp.pad(x, ((0, NP - N), (0, 0)))
    xs = jnp.stack([xp[:, :F], xp[:, F:]])
    out, _, _, _ = _gcn(xs, src, dst)
    return jnp.concatenate([out[0, :N], out[1, :N]], axis=1)

# --- scband reference (transcript-rebuilt; emitter-appended) ---
"""Pipeline reference for scband-light-gcn-68985764708540 (READ-ONLY COPY).

The authoritative reference and input builder live on the scoring server;
editing this copy changes nothing except your own understanding.
"""

import jax, jax.numpy as jnp
import numpy as np

NUM_NODES = 50000
EMB_DIM = 64
NUM_EDGES = 800000
NUM_LAYERS = 2


def _lgconv(x, edge_index):
    # Faithful PyG LGConv: symmetric gcn_norm without self loops, sum aggregation.
    src = edge_index[0]
    dst = edge_index[1]
    n = x.shape[0]
    edge_weight = jnp.ones((edge_index.shape[1],), dtype=x.dtype)
    # gcn_norm: degree computed by scattering edge weights onto col (dst)
    deg = jnp.zeros((n,), dtype=x.dtype).at[dst].add(edge_weight)
    deg_inv_sqrt = jnp.where(deg > 0, deg ** -0.5, 0.0)
    norm = deg_inv_sqrt[src] * deg_inv_sqrt[dst]
    # message: norm * x_j gathered from src, scatter-add into dst
    msgs = norm[:, None] * jnp.take(x, src, axis=0)
    out = jnp.zeros_like(x).at[dst].add(msgs)
    return out


def setup_inputs(seed: int = 0) -> dict:
    key = jax.random.key(seed)
    k1, k2 = jax.random.split(key)
    x = jax.random.normal(k1, (NUM_NODES, EMB_DIM), dtype=jnp.float32)
    edge_index = jax.random.randint(k2, (2, NUM_EDGES), 0, NUM_NODES, dtype=jnp.int64)
    return {"x": x, "edge_index": edge_index}


def reference(x, edge_index):
    xs = [x]
    h = x
    for _ in range(NUM_LAYERS):
        h = _lgconv(h, edge_index)
        xs.append(h)
    out = xs[0]
    for t in xs[1:]:
        out = out + t
    return out / len(xs)

if __name__ == "__main__":
    import jax
    _d = setup_inputs()
    print(jax.jit(kernel)(*tuple(_d.values())))

</pallas_src>

<mosaic_0001>
#map = affine_map<(d0, d1) -> (0, 0, 0)>
#map1 = affine_map<(d0, d1) -> (0)>
module attributes {stable_mosaic.version = 14 : i64} {
  func.func @_body(%arg0: i32, %arg1: i32, %arg2: memref<2x51200x32xf32, #tpu.memory_space<hbm>>, %arg3: memref<800000xi32, #tpu.memory_space<hbm>>, %arg4: memref<800000xi32, #tpu.memory_space<hbm>>, %arg5: memref<2x51200x32xf32, #tpu.memory_space<hbm>>, %arg6: memref<2x51200x32xf32, #tpu.memory_space<hbm>>, %arg7: memref<2x51200x32xf32, #tpu.memory_space<hbm>>, %arg8: memref<2x51200x32xf32, #tpu.memory_space<hbm>>, %arg9: memref<51200x32xf32, #tpu.memory_space<vmem_shared>>, %arg10: memref<51200xf32, #tpu.memory_space<vmem_shared>>, %arg11: memref<400xi32, #tpu.memory_space<vmem>>, %arg12: memref<400xi32, #tpu.memory_space<vmem>>, %arg13: memref<2000xi32, #tpu.memory_space<vmem>>, %arg14: memref<400x32xf32, #tpu.memory_space<vmem>>, %arg15: memref<3200xf32, #tpu.memory_space<vmem>>, %arg16: memref<128x32xf32, #tpu.memory_space<vmem>>, %arg17: memref<!tpu.dma_semaphore, #tpu.memory_space<semaphore_mem>>, %arg18: memref<!tpu.dma_semaphore, #tpu.memory_space<semaphore_mem>>) attributes {dimension_semantics = [#tpu.dimension_semantics<core_parallel>, #tpu.dimension_semantics<subcore_parallel>], iteration_bounds = array<i64: 2, 16>, scalar_prefetch = 0 : i64, scratch_operands = 10 : i64, tpu.core_type = #tpu.core_type<sc_vector_subcore>, window_params = [{transform_indices = #map}, {transform_indices = #map1}, {transform_indices = #map1}, {transform_indices = #map}, {transform_indices = #map}, {transform_indices = #map}, {transform_indices = #map}]} {
    %broadcast_in_dim3A = arith.constant 0.000000e+00 : f32
    %broadcast_in_dim3A_0 = vector.broadcast %broadcast_in_dim3A : f32 to vector<16xf32>
    %mul3A = arith.constant 3200 : i32
    %mul3A_1 = arith.muli %arg1, %mul3A : i32
    %mul3A_2 = arith.constant 50000 : i32
    %mul3A_3 = arith.muli %arg1, %mul3A_2 : i32
    %scan3A = arith.constant 0 : i32
    %scan3A_4 = arith.constant 0 : i32
    %scan3A_5 = arith.constant 128 : i32
    %scan3A_6 = arith.addi %scan3A_4, %scan3A_5 : i32
    %scan3A_7 = arith.constant 1 : i32
    %scan3A_8 = scf.for %scan3A_85 = %scan3A_4 to %scan3A_6 step %scan3A_7 iter_args(%scan3A_86 = %scan3A) -> (i32)  : i32 {
      %swap3A = arith.index_cast %scan3A_85 : i32 to index
      %swap3A_87 = arith.constant 0 : index
      %swap3A_88 = tpu.vector_load %arg16[%swap3A, %swap3A_87] {strides = array<i32>} : memref<128x32xf32, #tpu.memory_space<vmem>>, vector<16xf32>,
      tpu.vector_store %arg16[%swap3A, %swap3A_87], %broadcast_in_dim3A_0 {strides = array<i32>} : memref<128x32xf32, #tpu.memory_space<vmem>>, vector<16xf32>,
      %swap3A_89 = arith.index_cast %scan3A_85 : i32 to index
      %swap3A_90 = arith.constant 16 : index
      %swap3A_91 = tpu.vector_load %arg16[%swap3A_89, %swap3A_90] {strides = array<i32>} : memref<128x32xf32, #tpu.memory_space<vmem>>, vector<16xf32>,
      tpu.vector_store %arg16[%swap3A_89, %swap3A_90], %broadcast_in_dim3A_0 {strides = array<i32>} : memref<128x32xf32, #tpu.memory_space<vmem>>, vector<16xf32>,
      %scan3A_92 = arith.constant 0 : i32
      scf.yield %scan3A_92 : i32
    }
    %scan3A_9 = arith.constant 128 : i32
    %scan3A_10 = arith.constant 0 : i32
    %scan3A_11 = arith.constant 0 : i32
    %scan3A_12 = arith.constant 200 : i32
    %scan3A_13 = arith.addi %scan3A_11, %scan3A_12 : i32
    %scan3A_14 = arith.constant 1 : i32
    %scan3A_15 = scf.for %scan3A_85 = %scan3A_11 to %scan3A_13 step %scan3A_14 iter_args(%scan3A_86 = %scan3A_10) -> (i32)  : i32 {
      %mul3A_87 = arith.constant 16 : i32
      %mul3A_88 = arith.muli %scan3A_85, %mul3A_87 : i32
      %swap3A = arith.index_cast %mul3A_88 : i32 to index
      %swap3A_89 = tpu.vector_load %arg15[%swap3A] {strides = array<i32>} : memref<3200xf32, #tpu.memory_space<vmem>>, vector<16xf32>,
      tpu.vector_store %arg15[%swap3A], %broadcast_in_dim3A_0 {strides = array<i32>} : memref<3200xf32, #tpu.memory_space<vmem>>, vector<16xf32>,
      %scan3A_90 = arith.constant 0 : i32
      scf.yield %scan3A_90 : i32
    }
    %scan3A_16 = arith.constant 200 : i32
    "tpu.trace_start"() <{level = 10 : i32, message = "ph_zero"}> : () -> ()
    %scan3A_17 = arith.constant 0 : i32
    %scan3A_18 = arith.constant 0 : i32
    %scan3A_19 = arith.constant 25 : i32
    %scan3A_20 = arith.addi %scan3A_18, %scan3A_19 : i32
    %scan3A_21 = arith.constant 1 : i32
    %scan3A_22 = scf.for %scan3A_85 = %scan3A_18 to %scan3A_20 step %scan3A_21 iter_args(%scan3A_86 = %scan3A_17) -> (i32)  : i32 {
      %mul3A_87 = arith.constant 128 : i32
      %mul3A_88 = arith.muli %scan3A_85, %mul3A_87 : i32
      %add3A = arith.addi %mul3A_1, %mul3A_88 : i32
      "tpu.region"() ({
        %run_scoped3A = tpu.sem_alloc : memref<!tpu.dma_semaphore, #tpu.memory_space<semaphore_mem>>
        %dma_start3A = arith.constant 0 : i32
        %dma_start3A_90 = tpu.memref_slice %arg9[%add3A, %dma_start3A] : memref<51200x32xf32, #tpu.memory_space<vmem_shared>> -> memref<128x32xf32, #tpu.memory_space<vmem_shared>>
        %dma_start3A_91 = arith.constant 0 : i32
        %dma_start3A_92 = tpu.memref_slice %arg9[%add3A, %dma_start3A_91] : memref<51200x32xf32, #tpu.memory_space<vmem_shared>> -> memref<128x32xf32, #tpu.memory_space<vmem_shared>>
        tpu.enqueue_dma source(%arg16 : memref<128x32xf32, #tpu.memory_space<vmem>>) target(%dma_start3A_92 : memref<128x32xf32, #tpu.memory_space<vmem_shared>>) target_semaphore(%run_scoped3A : memref<!tpu.dma_semaphore, #tpu.memory_space<semaphore_mem>>)
        %dma_wait3A = arith.constant 0 : i32
        %dma_wait3A_93 = tpu.memref_slice %arg9[%add3A, %dma_wait3A] : memref<51200x32xf32, #tpu.memory_space<vmem_shared>> -> memref<128x32xf32, #tpu.memory_space<vmem_shared>>
        %dma_wait3A_94 = arith.constant 0 : i32
        %dma_wait3A_95 = tpu.memref_slice %arg9[%add3A, %dma_wait3A_94] : memref<51200x32xf32, #tpu.memory_space<vmem_shared>> -> memref<128x32xf32, #tpu.memory_space<vmem_shared>>
        tpu.wait_dma2 semaphore(%run_scoped3A : memref<!tpu.dma_semaphore, #tpu.memory_space<semaphore_mem>>) src(%arg16 : memref<128x32xf32, #tpu.memory_space<vmem>>) dst(%dma_wait3A_95 : memref<128x32xf32, #tpu.memory_space<vmem_shared>>)
        tpu.yield
      }) : () -> ()
      %scan3A_89 = arith.constant 0 : i32
      scf.yield %scan3A_89 : i32
    }
    %scan3A_23 = arith.constant 25 : i32
    "tpu.region"() ({
      %run_scoped3A = tpu.sem_alloc : memref<!tpu.dma_semaphore, #tpu.memory_space<semaphore_mem>>
      %dma_start3A = tpu.memref_slice %arg10[%mul3A_1] : memref<51200xf32, #tpu.memory_space<vmem_shared>> -> memref<3200xf32, #tpu.memory_space<vmem_shared>>
      %dma_start3A_85 = tpu.memref_slice %arg10[%mul3A_1] : memref<51200xf32, #tpu.memory_space<vmem_shared>> -> memref<3200xf32, #tpu.memory_space<vmem_shared>>
      tpu.enqueue_dma source(%arg15 : memref<3200xf32, #tpu.memory_space<vmem>>) target(%dma_start3A_85 : memref<3200xf32, #tpu.memory_space<vmem_shared>>) target_semaphore(%run_scoped3A : memref<!tpu.dma_semaphore, #tpu.memory_space<semaphore_mem>>)
      %dma_wait3A = tpu.memref_slice %arg10[%mul3A_1] : memref<51200xf32, #tpu.memory_space<vmem_shared>> -> memref<3200xf32, #tpu.memory_space<vmem_shared>>
      %dma_wait3A_86 = tpu.memref_slice %arg10[%mul3A_1] : memref<51200xf32, #tpu.memory_space<vmem_shared>> -> memref<3200xf32, #tpu.memory_space<vmem_shared>>
      tpu.wait_dma2 semaphore(%run_scoped3A : memref<!tpu.dma_semaphore, #tpu.memory_space<semaphore_mem>>) src(%arg15 : memref<3200xf32, #tpu.memory_space<vmem>>) dst(%dma_wait3A_86 : memref<3200xf32, #tpu.memory_space<vmem_shared>>)
      tpu.yield
    }) : () -> ()
    %barrier3A = arith.constant 0 : index
    tpu.barrier barrier_id(%barrier3A)
    "tpu.trace_stop"() : () -> ()
    %scan3A_24 = arith.constant 0 : i32
    %scan3A_25 = arith.constant 0 : i32
    %scan3A_26 = arith.constant 125 : i32
    %scan3A_27 = arith.addi %scan3A_25, %scan3A_26 : i32
    %scan3A_28 = arith.constant 1 : i32
    %scan3A_29 = scf.for %scan3A_85 = %scan3A_25 to %scan3A_27 step %scan3A_28 iter_args(%scan3A_86 = %scan3A_24) -> (i32)  : i32 {
      %broadcast_in_dim3A_87 = arith.constant 1.000000e+00 : f32
      %broadcast_in_dim3A_88 = vector.broadcast %broadcast_in_dim3A_87 : f32 to vector<16xf32>
      %mul3A_89 = arith.constant 16 : i32
      %mul3A_90 = arith.muli %scan3A_85, %mul3A_89 : i32
      %swap3A = arith.index_cast %mul3A_90 : i32 to index
      %swap3A_91 = tpu.vector_load %arg15[%swap3A] {strides = array<i32>} : memref<3200xf32, #tpu.memory_space<vmem>>, vector<16xf32>,
      tpu.vector_store %arg15[%swap3A], %broadcast_in_dim3A_88 {strides = array<i32>} : memref<3200xf32, #tpu.memory_space<vmem>>, vector<16xf32>,
      %scan3A_92 = arith.constant 0 : i32
      scf.yield %scan3A_92 : i32
    }
    %scan3A_30 = arith.constant 125 : i32
    "tpu.trace_start"() <{level = 10 : i32, message = "ph_deg"}> : () -> ()
    %scan3A_31 = arith.constant 0 : i32
    %scan3A_32 = arith.constant 0 : i32
    %scan3A_33 = arith.constant 25 : i32
    %scan3A_34 = arith.addi %scan3A_32, %scan3A_33 : i32
    %scan3A_35 = arith.constant 1 : i32
    %scan3A_36 = scf.for %scan3A_85 = %scan3A_32 to %scan3A_34 step %scan3A_35 iter_args(%scan3A_86 = %scan3A_31) -> (i32)  : i32 {
      %mul3A_87 = arith.constant 2000 : i32
      %mul3A_88 = arith.muli %scan3A_85, %mul3A_87 : i32
      %add3A = arith.addi %mul3A_3, %mul3A_88 : i32
      "tpu.region"() ({
        %run_scoped3A = tpu.sem_alloc : memref<!tpu.dma_semaphore, #tpu.memory_space<semaphore_mem>>
        %dma_start3A = tpu.memref_slice %arg4[%add3A] : memref<800000xi32, #tpu.memory_space<hbm>> -> memref<2000xi32, #tpu.memory_space<hbm>>
        %dma_start3A_90 = tpu.memref_slice %arg4[%add3A] : memref<800000xi32, #tpu.memory_space<hbm>> -> memref<2000xi32, #tpu.memory_space<hbm>>
        tpu.enqueue_dma source(%dma_start3A_90 : memref<2000xi32, #tpu.memory_space<hbm>>) target(%arg13 : memref<2000xi32, #tpu.memory_space<vmem>>) target_semaphore(%run_scoped3A : memref<!tpu.dma_semaphore, #tpu.memory_space<semaphore_mem>>)
        %dma_wait3A = tpu.memref_slice %arg4[%add3A] : memref<800000xi32, #tpu.memory_space<hbm>> -> memref<2000xi32, #tpu.memory_space<hbm>>
        %dma_wait3A_91 = tpu.memref_slice %arg4[%add3A] : memref<800000xi32, #tpu.memory_space<hbm>> -> memref<2000xi32, #tpu.memory_space<hbm>>
        tpu.wait_dma2 semaphore(%run_scoped3A : memref<!tpu.dma_semaphore, #tpu.memory_space<semaphore_mem>>) src(%dma_wait3A_91 : memref<2000xi32, #tpu.memory_space<hbm>>) dst(%arg13 : memref<2000xi32, #tpu.memory_space<vmem>>)
        tpu.yield
      }) : () -> ()
      "tpu.region"() ({
        %run_scoped3A = tpu.sem_alloc : memref<!tpu.dma_semaphore, #tpu.memory_space<semaphore_mem>>
        %dma_start3A = arith.constant 0 : i32
        %dma_start3A_90 = tpu.memref_slice %arg15[%dma_start3A] : memref<3200xf32, #tpu.memory_space<vmem>> -> memref<2000xf32, #tpu.memory_space<vmem>>
        %dma_start3A_91 = arith.constant 0 : i32
        %dma_start3A_92 = tpu.memref_slice %arg10[%dma_start3A_91] : memref<51200xf32, #tpu.memory_space<vmem_shared>> -> memref<51200xf32, #tpu.memory_space<vmem_shared>>
        tpu.enqueue_indirect_dma source(%dma_start3A_90 : memref<2000xf32, #tpu.memory_space<vmem>>) target(%dma_start3A_92 : memref<51200xf32, #tpu.memory_space<vmem_shared>>) offsets(%arg13 : memref<2000xi32, #tpu.memory_space<vmem>>) semaphore(%run_scoped3A : memref<!tpu.dma_semaphore, #tpu.memory_space<semaphore_mem>>) {add = true}
        %dma_wait3A = arith.constant 0 : i32
        %dma_wait3A_93 = tpu.memref_slice %arg15[%dma_wait3A] : memref<3200xf32, #tpu.memory_space<vmem>> -> memref<2000xf32, #tpu.memory_space<vmem>>
        %dma_wait3A_94 = arith.constant 0 : i32
        %dma_wait3A_95 = tpu.memref_slice %arg10[%dma_wait3A_94] : memref<51200xf32, #tpu.memory_space<vmem_shared>> -> memref<51200xf32, #tpu.memory_space<vmem_shared>>
        tpu.wait_indirect_dma semaphore(%run_scoped3A : memref<!tpu.dma_semaphore, #tpu.memory_space<semaphore_mem>>) src(%dma_wait3A_93 : memref<2000xf32, #tpu.memory_space<vmem>>) dst(%dma_wait3A_95 : memref<51200xf32, #tpu.memory_space<vmem_shared>>)
        tpu.yield
      }) : () -> ()
      %scan3A_89 = arith.constant 0 : i32
      scf.yield %scan3A_89 : i32
    }
    %scan3A_37 = arith.constant 25 : i32
    %barrier3A_38 = arith.constant 0 : index
    tpu.barrier barrier_id(%barrier3A_38)
    "tpu.trace_stop"() : () -> ()
    "tpu.trace_start"() <{level = 10 : i32, message = "ph_dis"}> : () -> ()
    "tpu.region"() ({
      %run_scoped3A = tpu.sem_alloc : memref<!tpu.dma_semaphore, #tpu.memory_space<semaphore_mem>>
      %dma_start3A = tpu.memref_slice %arg10[%mul3A_1] : memref<51200xf32, #tpu.memory_space<vmem_shared>> -> memref<3200xf32, #tpu.memory_space<vmem_shared>>
      %dma_start3A_85 = tpu.memref_slice %arg10[%mul3A_1] : memref<51200xf32, #tpu.memory_space<vmem_shared>> -> memref<3200xf32, #tpu.memory_space<vmem_shared>>
      tpu.enqueue_dma source(%dma_start3A_85 : memref<3200xf32, #tpu.memory_space<vmem_shared>>) target(%arg15 : memref<3200xf32, #tpu.memory_space<vmem>>) target_semaphore(%run_scoped3A : memref<!tpu.dma_semaphore, #tpu.memory_space<semaphore_mem>>)
      %dma_wait3A = tpu.memref_slice %arg10[%mul3A_1] : memref<51200xf32, #tpu.memory_space<vmem_shared>> -> memref<3200xf32, #tpu.memory_space<vmem_shared>>
      %dma_wait3A_86 = tpu.memref_slice %arg10[%mul3A_1] : memref<51200xf32, #tpu.memory_space<vmem_shared>> -> memref<3200xf32, #tpu.memory_space<vmem_shared>>
      tpu.wait_dma2 semaphore(%run_scoped3A : memref<!tpu.dma_semaphore, #tpu.memory_space<semaphore_mem>>) src(%dma_wait3A_86 : memref<3200xf32, #tpu.memory_space<vmem_shared>>) dst(%arg15 : memref<3200xf32, #tpu.memory_space<vmem>>)
      tpu.yield
    }) : () -> ()
    %scan3A_39 = arith.constant 0 : i32
    %scan3A_40 = arith.constant 0 : i32
    %scan3A_41 = arith.constant 200 : i32
    %scan3A_42 = arith.addi %scan3A_40, %scan3A_41 : i32
    %scan3A_43 = arith.constant 1 : i32
    %scan3A_44 = scf.for %scan3A_85 = %scan3A_40 to %scan3A_42 step %scan3A_43 iter_args(%scan3A_86 = %scan3A_39) -> (i32)  : i32 {
      %mul3A_87 = arith.constant 16 : i32
      %mul3A_88 = arith.muli %scan3A_85, %mul3A_87 : i32
      %get3A = arith.index_cast %mul3A_88 : i32 to index
      %get3A_89 = tpu.vector_load %arg15[%get3A] {strides = array<i32>} : memref<3200xf32, #tpu.memory_space<vmem>>, vector<16xf32>,
      %bitcast_convert_type3A = tpu.bitcast %get3A_89 : vector<16xf32> -> vector<16xi32>
      %shift_right_arithmetic3A = arith.constant 1 : i32
      %shift_right_arithmetic3A_90 = vector.broadcast %shift_right_arithmetic3A : i32 to vector<16xi32>
      %shift_right_arithmetic3A_91 = arith.shrsi %bitcast_convert_type3A, %shift_right_arithmetic3A_90 : vector<16xi32>
      %sub3A = arith.constant 1597463007 : i32
      %sub3A_92 = vector.broadcast %sub3A : i32 to vector<16xi32>
      %sub3A_93 = arith.subi %sub3A_92, %shift_right_arithmetic3A_91 : vector<16xi32>
      %bitcast_convert_type3A_94 = tpu.bitcast %sub3A_93 : vector<16xi32> -> vector<16xf32>
      %mul3A_95 = arith.constant 5.000000e-01 : f32
      %mul3A_96 = vector.broadcast %mul3A_95 : f32 to vector<16xf32>
      %mul3A_97 = arith.mulf %mul3A_96, %get3A_89 : vector<16xf32>
      %mul3A_98 = arith.mulf %mul3A_97, %bitcast_convert_type3A_94 : vector<16xf32>
      %mul3A_99 = arith.mulf %mul3A_98, %bitcast_convert_type3A_94 : vector<16xf32>
      %sub3A_100 = arith.constant 1.500000e+00 : f32
      %sub3A_101 = vector.broadcast %sub3A_100 : f32 to vector<16xf32>
      %sub3A_102 = arith.subf %sub3A_101, %mul3A_99 : vector<16xf32>
      %mul3A_103 = arith.mulf %bitcast_convert_type3A_94, %sub3A_102 : vector<16xf32>
      %mul3A_104 = arith.constant 5.000000e-01 : f32
      %mul3A_105 = vector.broadcast %mul3A_104 : f32 to vector<16xf32>
      %mul3A_106 = arith.mulf %mul3A_105, %get3A_89 : vector<16xf32>
      %mul3A_107 = arith.mulf %mul3A_106, %mul3A_103 : vector<16xf32>
      %mul3A_108 = arith.mulf %mul3A_107, %mul3A_103 : vector<16xf32>
      %sub3A_109 = arith.constant 1.500000e+00 : f32
      %sub3A_110 = vector.broadcast %sub3A_109 : f32 to vector<16xf32>
      %sub3A_111 = arith.subf %sub3A_110, %mul3A_108 : vector<16xf32>
      %mul3A_112 = arith.mulf %mul3A_103, %sub3A_111 : vector<16xf32>
      %mul3A_113 = arith.constant 5.000000e-01 : f32
      %mul3A_114 = vector.broadcast %mul3A_113 : f32 to vector<16xf32>
      %mul3A_115 = arith.mulf %mul3A_114, %get3A_89 : vector<16xf32>
      %mul3A_116 = arith.mulf %mul3A_115, %mul3A_112 : vector<16xf32>
      %mul3A_117 = arith.mulf %mul3A_116, %mul3A_112 : vector<16xf32>
      %sub3A_118 = arith.constant 1.500000e+00 : f32
      %sub3A_119 = vector.broadcast %sub3A_118 : f32 to vector<16xf32>
      %sub3A_120 = arith.subf %sub3A_119, %mul3A_117 : vector<16xf32>
      %mul3A_121 = arith.mulf %mul3A_112, %sub3A_120 : vector<16xf32>
      %gt3A = arith.constant 0.000000e+00 : f32
      %gt3A_122 = vector.broadcast %gt3A : f32 to vector<16xf32>
      %gt3A_123 = arith.cmpf ogt, %get3A_89, %gt3A_122 : vector<16xf32>
      %jit3A = arith.constant 0.000000e+00 : f32
      %broadcast_in_dim3A_124 = vector.broadcast %jit3A : f32 to vector<16xf32>
      %select_n3A = arith.select %gt3A_123, %mul3A_121, %broadcast_in_dim3A_124 : vector<16xi1>, vector<16xf32>
      %mul3A_125 = arith.constant 16 : i32
      %mul3A_126 = arith.muli %scan3A_85, %mul3A_125 : i32
      %swap3A = arith.index_cast %mul3A_126 : i32 to index
      %swap3A_127 = tpu.vector_load %arg15[%swap3A] {strides = array<i32>} : memref<3200xf32, #tpu.memory_space<vmem>>, vector<16xf32>,
      tpu.vector_store %arg15[%swap3A], %select_n3A {strides = array<i32>} : memref<3200xf32, #tpu.memory_space<vmem>>, vector<16xf32>,
      %scan3A_128 = arith.constant 0 : i32
      scf.yield %scan3A_128 : i32
    }
    %scan3A_45 = arith.constant 200 : i32
    "tpu.trace_stop"() : () -> ()
    "tpu.trace_start"() <{level = 10 : i32, message = "ph_scale"}> : () -> ()
    %scan3A_46 = arith.constant 0 : i32
    %scan3A_47 = arith.constant 0 : i32
    %scan3A_48 = arith.constant 25 : i32
    %scan3A_49 = arith.addi %scan3A_47, %scan3A_48 : i32
    %scan3A_50 = arith.constant 1 : i32
    %scan3A_51 = scf.for %scan3A_85 = %scan3A_47 to %scan3A_49 step %scan3A_50 iter_args(%scan3A_86 = %scan3A_46) -> (i32)  : i32 {
      %mul3A_87 = arith.constant 128 : i32
      %mul3A_88 = arith.muli %scan3A_85, %mul3A_87 : i32
      %add3A = arith.addi %mul3A_1, %mul3A_88 : i32
      "tpu.region"() ({
        %run_scoped3A = tpu.sem_alloc : memref<!tpu.dma_semaphore, #tpu.memory_space<semaphore_mem>>
        %dma_start3A = arith.constant 0 : i32
        %dma_start3A_97 = arith.constant 0 : i32
        %dma_start3A_98 = tpu.memref_slice %arg14[%dma_start3A, %dma_start3A_97] : memref<400x32xf32, #tpu.memory_space<vmem>> -> memref<128x32xf32, #tpu.memory_space<vmem>>
        %dma_start3A_99 = arith.constant 0 : i32
        %dma_start3A_100 = arith.constant 0 : i32
        %dma_start3A_101 = tpu.memref_slice %arg2[%arg0, %dma_start3A_99, %dma_start3A_100] : memref<2x51200x32xf32, #tpu.memory_space<hbm>> -> memref<1x51200x32xf32, #tpu.memory_space<hbm>>
        %dma_start3A_102 = tpu.memref_squeeze %dma_start3A_101 : memref<1x51200x32xf32, #tpu.memory_space<hbm>> -> memref<51200x32xf32, #tpu.memory_space<hbm>>
        %dma_start3A_103 = arith.constant 0 : i32
        %dma_start3A_104 = tpu.memref_slice %dma_start3A_102[%add3A, %dma_start3A_103] : memref<51200x32xf32, #tpu.memory_space<hbm>> -> memref<128x32xf32, #tpu.memory_space<hbm>>
        %dma_start3A_105 = arith.constant 0 : i32
        %dma_start3A_106 = arith.constant 0 : i32
        %dma_start3A_107 = tpu.memref_slice %arg14[%dma_start3A_105, %dma_start3A_106] : memref<400x32xf32, #tpu.memory_space<vmem>> -> memref<128x32xf32, #tpu.memory_space<vmem>>
        %dma_start3A_108 = arith.constant 0 : i32
        %dma_start3A_109 = arith.constant 0 : i32
        %dma_start3A_110 = tpu.memref_slice %arg2[%arg0, %dma_start3A_108, %dma_start3A_109] : memref<2x51200x32xf32, #tpu.memory_space<hbm>> -> memref<1x51200x32xf32, #tpu.memory_space<hbm>>
        %dma_start3A_111 = tpu.memref_squeeze %dma_start3A_110 : memref<1x51200x32xf32, #tpu.memory_space<hbm>> -> memref<51200x32xf32, #tpu.memory_space<hbm>>
        %dma_start3A_112 = arith.constant 0 : i32
        %dma_start3A_113 = tpu.memref_slice %dma_start3A_111[%add3A, %dma_start3A_112] : memref<51200x32xf32, #tpu.memory_space<hbm>> -> memref<128x32xf32, #tpu.memory_space<hbm>>
        tpu.enqueue_dma source(%dma_start3A_113 : memref<128x32xf32, #tpu.memory_space<hbm>>) target(%dma_start3A_107 : memref<128x32xf32, #tpu.memory_space<vmem>>) target_semaphore(%run_scoped3A : memref<!tpu.dma_semaphore, #tpu.memory_space<semaphore_mem>>)
        %dma_wait3A = arith.constant 0 : i32
        %dma_wait3A_114 = arith.constant 0 : i32
        %dma_wait3A_115 = tpu.memref_slice %arg14[%dma_wait3A, %dma_wait3A_114] : memref<400x32xf32, #tpu.memory_space<vmem>> -> memref<128x32xf32, #tpu.memory_space<vmem>>
        %dma_wait3A_116 = arith.constant 0 : i32
        %dma_wait3A_117 = arith.constant 0 : i32
        %dma_wait3A_118 = tpu.memref_slice %arg2[%arg0, %dma_wait3A_116, %dma_wait3A_117] : memref<2x51200x32xf32, #tpu.memory_space<hbm>> -> memref<1x51200x32xf32, #tpu.memory_space<hbm>>
        %dma_wait3A_119 = tpu.memref_squeeze %dma_wait3A_118 : memref<1x51200x32xf32, #tpu.memory_space<hbm>> -> memref<51200x32xf32, #tpu.memory_space<hbm>>
        %dma_wait3A_120 = arith.constant 0 : i32
        %dma_wait3A_121 = tpu.memref_slice %dma_wait3A_119[%add3A, %dma_wait3A_120] : memref<51200x32xf32, #tpu.memory_space<hbm>> -> memref<128x32xf32, #tpu.memory_space<hbm>>
        %dma_wait3A_122 = arith.constant 0 : i32
        %dma_wait3A_123 = arith.constant 0 : i32
        %dma_wait3A_124 = tpu.memref_slice %arg14[%dma_wait3A_122, %dma_wait3A_123] : memref<400x32xf32, #tpu.memory_space<vmem>> -> memref<128x32xf32, #tpu.memory_space<vmem>>
        %dma_wait3A_125 = arith.constant 0 : i32
        %dma_wait3A_126 = arith.constant 0 : i32
        %dma_wait3A_127 = tpu.memref_slice %arg2[%arg0, %dma_wait3A_125, %dma_wait3A_126] : memref<2x51200x32xf32, #tpu.memory_space<hbm>> -> memref<1x51200x32xf32, #tpu.memory_space<hbm>>
        %dma_wait3A_128 = tpu.memref_squeeze %dma_wait3A_127 : memref<1x51200x32xf32, #tpu.memory_space<hbm>> -> memref<51200x32xf32, #tpu.memory_space<hbm>>
        %dma_wait3A_129 = arith.constant 0 : i32
        %dma_wait3A_130 = tpu.memref_slice %dma_wait3A_128[%add3A, %dma_wait3A_129] : memref<51200x32xf32, #tpu.memory_space<hbm>> -> memref<128x32xf32, #tpu.memory_space<hbm>>
        tpu.wait_dma2 semaphore(%run_scoped3A : memref<!tpu.dma_semaphore, #tpu.memory_space<semaphore_mem>>) src(%dma_wait3A_130 : memref<128x32xf32, #tpu.memory_space<hbm>>) dst(%dma_wait3A_124 : memref<128x32xf32, #tpu.memory_space<vmem>>)
        tpu.yield
      }) : () -> ()
      %scan3A_89 = arith.constant 0 : i32
      %scan3A_90 = arith.constant 0 : i32
      %scan3A_91 = arith.constant 128 : i32
      %scan3A_92 = arith.addi %scan3A_90, %scan3A_91 : i32
      %scan3A_93 = arith.constant 1 : i32
      %scan3A_94 = scf.for %scan3A_97 = %scan3A_90 to %scan3A_92 step %scan3A_93 iter_args(%scan3A_98 = %scan3A_89) -> (i32)  : i32 {
        %mul3A_99 = arith.constant 128 : i32
        %mul3A_100 = arith.muli %scan3A_85, %mul3A_99 : i32
        %add3A_101 = arith.addi %mul3A_100, %scan3A_97 : i32
        %broadcast_in_dim3A_102 = vector.broadcast %add3A_101 : i32 to vector<16xi32>
        %gather3A = tpu.vector_load_idx %arg15[%broadcast_in_dim3A_102] : memref<3200xf32, #tpu.memory_space<vmem>>[vector<16xi32>], vector<16xf32>,
        %get3A = arith.constant 0 : i32
        %get3A_103 = arith.constant 0 : i32
        %get3A_104 = tpu.memref_slice %arg14[%get3A, %get3A_103] : memref<400x32xf32, #tpu.memory_space<vmem>> -> memref<128x32xf32, #tpu.memory_space<vmem>>
        %get3A_105 = arith.index_cast %scan3A_97 : i32 to index
        %get3A_106 = arith.constant 0 : index
        %get3A_107 = tpu.vector_load %get3A_104[%get3A_105, %get3A_106] {strides = array<i32>} : memref<128x32xf32, #tpu.memory_space<vmem>>, vector<16xf32>,
        %mul3A_108 = arith.mulf %get3A_107, %gather3A : vector<16xf32>
        %swap3A = arith.constant 128 : i32
        %swap3A_109 = arith.constant 0 : i32
        %swap3A_110 = tpu.memref_slice %arg14[%swap3A, %swap3A_109] : memref<400x32xf32, #tpu.memory_space<vmem>> -> memref<128x32xf32, #tpu.memory_space<vmem>>
        %swap3A_111 = arith.index_cast %scan3A_97 : i32 to index
        %swap3A_112 = arith.constant 0 : index
        %swap3A_113 = tpu.vector_load %swap3A_110[%swap3A_111, %swap3A_112] {strides = array<i32>} : memref<128x32xf32, #tpu.memory_space<vmem>>, vector<16xf32>,
        tpu.vector_store %swap3A_110[%swap3A_111, %swap3A_112], %mul3A_108 {strides = array<i32>} : memref<128x32xf32, #tpu.memory_space<vmem>>, vector<16xf32>,
        %get3A_114 = arith.constant 0 : i32
        %get3A_115 = arith.constant 0 : i32
        %get3A_116 = tpu.memref_slice %arg14[%get3A_114, %get3A_115] : memref<400x32xf32, #tpu.memory_space<vmem>> -> memref<128x32xf32, #tpu.memory_space<vmem>>
        %get3A_117 = arith.index_cast %scan3A_97 : i32 to index
        %get3A_118 = arith.constant 16 : index
        %get3A_119 = tpu.vector_load %get3A_116[%get3A_117, %get3A_118] {strides = array<i32>} : memref<128x32xf32, #tpu.memory_space<vmem>>, vector<16xf32>,
        %mul3A_120 = arith.mulf %get3A_119, %gather3A : vector<16xf32>
        %swap3A_121 = arith.constant 128 : i32
        %swap3A_122 = arith.constant 0 : i32
        %swap3A_123 = tpu.memref_slice %arg14[%swap3A_121, %swap3A_122] : memref<400x32xf32, #tpu.memory_space<vmem>> -> memref<128x32xf32, #tpu.memory_space<vmem>>
        %swap3A_124 = arith.index_cast %scan3A_97 : i32 to index
        %swap3A_125 = arith.constant 16 : index
        %swap3A_126 = tpu.vector_load %swap3A_123[%swap3A_124, %swap3A_125] {strides = array<i32>} : memref<128x32xf32, #tpu.memory_space<vmem>>, vector<16xf32>,
        tpu.vector_store %swap3A_123[%swap3A_124, %swap3A_125], %mul3A_120 {strides = array<i32>} : memref<128x32xf32, #tpu.memory_space<vmem>>, vector<16xf32>,
        %scan3A_127 = arith.constant 0 : i32
        scf.yield %scan3A_127 : i32
      }
      %scan3A_95 = arith.constant 128 : i32
      "tpu.region"() ({
        %run_scoped3A = tpu.sem_alloc : memref<!tpu.dma_semaphore, #tpu.memory_space<semaphore_mem>>
        %dma_start3A = arith.constant 128 : i32
        %dma_start3A_97 = arith.constant 0 : i32
        %dma_start3A_98 = tpu.memref_slice %arg14[%dma_start3A, %dma_start3A_97] : memref<400x32xf32, #tpu.memory_space<vmem>> -> memref<128x32xf32, #tpu.memory_space<vmem>>
        %dma_start3A_99 = arith.constant 0 : i32
        %dma_start3A_100 = arith.constant 0 : i32
        %dma_start3A_101 = tpu.memref_slice %arg6[%arg0, %dma_start3A_99, %dma_start3A_100] : memref<2x51200x32xf32, #tpu.memory_space<hbm>> -> memref<1x51200x32xf32, #tpu.memory_space<hbm>>
        %dma_start3A_102 = tpu.memref_squeeze %dma_start3A_101 : memref<1x51200x32xf32, #tpu.memory_space<hbm>> -> memref<51200x32xf32, #tpu.memory_space<hbm>>
        %dma_start3A_103 = arith.constant 0 : i32
        %dma_start3A_104 = tpu.memref_slice %dma_start3A_102[%add3A, %dma_start3A_103] : memref<51200x32xf32, #tpu.memory_space<hbm>> -> memref<128x32xf32, #tpu.memory_space<hbm>>
        %dma_start3A_105 = arith.constant 0 : i32
        %dma_start3A_106 = arith.constant 0 : i32
        %dma_start3A_107 = tpu.memref_slice %arg6[%arg0, %dma_start3A_105, %dma_start3A_106] : memref<2x51200x32xf32, #tpu.memory_space<hbm>> -> memref<1x51200x32xf32, #tpu.memory_space<hbm>>
        %dma_start3A_108 = tpu.memref_squeeze %dma_start3A_107 : memref<1x51200x32xf32, #tpu.memory_space<hbm>> -> memref<51200x32xf32, #tpu.memory_space<hbm>>
        %dma_start3A_109 = arith.constant 0 : i32
        %dma_start3A_110 = tpu.memref_slice %dma_start3A_108[%add3A, %dma_start3A_109] : memref<51200x32xf32, #tpu.memory_space<hbm>> -> memref<128x32xf32, #tpu.memory_space<hbm>>
        %dma_start3A_111 = arith.constant 128 : i32
        %dma_start3A_112 = arith.constant 0 : i32
        %dma_start3A_113 = tpu.memref_slice %arg14[%dma_start3A_111, %dma_start3A_112] : memref<400x32xf32, #tpu.memory_space<vmem>> -> memref<128x32xf32, #tpu.memory_space<vmem>>
        tpu.enqueue_dma source(%dma_start3A_113 : memref<128x32xf32, #tpu.memory_space<vmem>>) target(%dma_start3A_110 : memref<128x32xf32, #tpu.memory_space<hbm>>) target_semaphore(%run_scoped3A : memref<!tpu.dma_semaphore, #tpu.memory_space<semaphore_mem>>)
        %dma_wait3A = arith.constant 128 : i32
        %dma_wait3A_114 = arith.constant 0 : i32
        %dma_wait3A_115 = tpu.memref_slice %arg14[%dma_wait3A, %dma_wait3A_114] : memref<400x32xf32, #tpu.memory_space<vmem>> -> memref<128x32xf32, #tpu.memory_space<vmem>>
        %dma_wait3A_116 = arith.constant 0 : i32
        %dma_wait3A_117 = arith.constant 0 : i32
        %dma_wait3A_118 = tpu.memref_slice %arg6[%arg0, %dma_wait3A_116, %dma_wait3A_117] : memref<2x51200x32xf32, #tpu.memory_space<hbm>> -> memref<1x51200x32xf32, #tpu.memory_space<hbm>>
        %dma_wait3A_119 = tpu.memref_squeeze %dma_wait3A_118 : memref<1x51200x32xf32, #tpu.memory_space<hbm>> -> memref<51200x32xf32, #tpu.memory_space<hbm>>
        %dma_wait3A_120 = arith.constant 0 : i32
        %dma_wait3A_121 = tpu.memref_slice %dma_wait3A_119[%add3A, %dma_wait3A_120] : memref<51200x32xf32, #tpu.memory_space<hbm>> -> memref<128x32xf32, #tpu.memory_space<hbm>>
        %dma_wait3A_122 = arith.constant 0 : i32
        %dma_wait3A_123 = arith.constant 0 : i32
        %dma_wait3A_124 = tpu.memref_slice %arg6[%arg0, %dma_wait3A_122, %dma_wait3A_123] : memref<2x51200x32xf32, #tpu.memory_space<hbm>> -> memref<1x51200x32xf32, #tpu.memory_space<hbm>>
        %dma_wait3A_125 = tpu.memref_squeeze %dma_wait3A_124 : memref<1x51200x32xf32, #tpu.memory_space<hbm>> -> memref<51200x32xf32, #tpu.memory_space<hbm>>
        %dma_wait3A_126 = arith.constant 0 : i32
        %dma_wait3A_127 = tpu.memref_slice %dma_wait3A_125[%add3A, %dma_wait3A_126] : memref<51200x32xf32, #tpu.memory_space<hbm>> -> memref<128x32xf32, #tpu.memory_space<hbm>>
        %dma_wait3A_128 = arith.constant 128 : i32
        %dma_wait3A_129 = arith.constant 0 : i32
        %dma_wait3A_130 = tpu.memref_slice %arg14[%dma_wait3A_128, %dma_wait3A_129] : memref<400x32xf32, #tpu.memory_space<vmem>> -> memref<128x32xf32, #tpu.memory_space<vmem>>
        tpu.wait_dma2 semaphore(%run_scoped3A : memref<!tpu.dma_semaphore, #tpu.memory_space<semaphore_mem>>) src(%dma_wait3A_130 : memref<128x32xf32, #tpu.memory_space<vmem>>) dst(%dma_wait3A_127 : memref<128x32xf32, #tpu.memory_space<hbm>>)
        tpu.yield
      }) : () -> ()
      %scan3A_96 = arith.constant 0 : i32
      scf.yield %scan3A_96 : i32
    }
    %scan3A_52 = arith.constant 25 : i32
    %barrier3A_53 = arith.constant 0 : index
    tpu.barrier barrier_id(%barrier3A_53)
    "tpu.trace_stop"() : () -> ()
    "tpu.trace_start"() <{level = 10 : i32, message = "ph_spass"}> : () -> ()
    %scan3A_54 = arith.constant 0 : i32
    %scan3A_55 = arith.constant 0 : i32
    %scan3A_56 = arith.constant 125 : i32
    %scan3A_57 = arith.addi %scan3A_55, %scan3A_56 : i32
    %scan3A_58 = arith.constant 1 : i32
    %scan3A_59 = scf.for %scan3A_85 = %scan3A_55 to %scan3A_57 step %scan3A_58 iter_args(%scan3A_86 = %scan3A_54) -> (i32)  : i32 {
      %mul3A_87 = arith.constant 400 : i32
      %mul3A_88 = arith.muli %scan3A_85, %mul3A_87 : i32
      %add3A = arith.addi %mul3A_3, %mul3A_88 : i32
      "tpu.region"() ({
        %run_scoped3A = tpu.sem_alloc : memref<!tpu.dma_semaphore, #tpu.memory_space<semaphore_mem>>
        %dma_start3A_108 = tpu.memref_slice %arg3[%add3A] : memref<800000xi32, #tpu.memory_space<hbm>> -> memref<400xi32, #tpu.memory_space<hbm>>
        %dma_start3A_109 = tpu.memref_slice %arg3[%add3A] : memref<800000xi32, #tpu.memory_space<hbm>> -> memref<400xi32, #tpu.memory_space<hbm>>
        tpu.enqueue_dma source(%dma_start3A_109 : memref<400xi32, #tpu.memory_space<hbm>>) target(%arg11 : memref<400xi32, #tpu.memory_space<vmem>>) target_semaphore(%run_scoped3A : memref<!tpu.dma_semaphore, #tpu.memory_space<semaphore_mem>>)
        %dma_wait3A_110 = tpu.memref_slice %arg3[%add3A] : memref<800000xi32, #tpu.memory_space<hbm>> -> memref<400xi32, #tpu.memory_space<hbm>>
        %dma_wait3A_111 = tpu.memref_slice %arg3[%add3A] : memref<800000xi32, #tpu.memory_space<hbm>> -> memref<400xi32, #tpu.memory_space<hbm>>
        tpu.wait_dma2 semaphore(%run_scoped3A : memref<!tpu.dma_semaphore, #tpu.memory_space<semaphore_mem>>) src(%dma_wait3A_111 : memref<400xi32, #tpu.memory_space<hbm>>) dst(%arg11 : memref<400xi32, #tpu.memory_space<vmem>>)
        tpu.yield
      }) : () -> ()
      "tpu.region"() ({
        %run_scoped3A = tpu.sem_alloc : memref<!tpu.dma_semaphore, #tpu.memory_space<semaphore_mem>>
        %dma_start3A_108 = tpu.memref_slice %arg4[%add3A] : memref<800000xi32, #tpu.memory_space<hbm>> -> memref<400xi32, #tpu.memory_space<hbm>>
        %dma_start3A_109 = tpu.memref_slice %arg4[%add3A] : memref<800000xi32, #tpu.memory_space<hbm>> -> memref<400xi32, #tpu.memory_space<hbm>>
        tpu.enqueue_dma source(%dma_start3A_109 : memref<400xi32, #tpu.memory_space<hbm>>) target(%arg12 : memref<400xi32, #tpu.memory_space<vmem>>) target_semaphore(%run_scoped3A : memref<!tpu.dma_semaphore, #tpu.memory_space<semaphore_mem>>)
        %dma_wait3A_110 = tpu.memref_slice %arg4[%add3A] : memref<800000xi32, #tpu.memory_space<hbm>> -> memref<400xi32, #tpu.memory_space<hbm>>
        %dma_wait3A_111 = tpu.memref_slice %arg4[%add3A] : memref<800000xi32, #tpu.memory_space<hbm>> -> memref<400xi32, #tpu.memory_space<hbm>>
        tpu.wait_dma2 semaphore(%run_scoped3A : memref<!tpu.dma_semaphore, #tpu.memory_space<semaphore_mem>>) src(%dma_wait3A_111 : memref<400xi32, #tpu.memory_space<hbm>>) dst(%arg12 : memref<400xi32, #tpu.memory_space<vmem>>)
        tpu.yield
      }) : () -> ()
      %dma_start3A = arith.constant 0 : i32
      %dma_start3A_89 = arith.constant 0 : i32
      %dma_start3A_90 = tpu.memref_slice %arg6[%arg0, %dma_start3A, %dma_start3A_89] : memref<2x51200x32xf32, #tpu.memory_space<hbm>> -> memref<1x51200x32xf32, #tpu.memory_space<hbm>>
      %dma_start3A_91 = tpu.memref_squeeze %dma_start3A_90 : memref<1x51200x32xf32, #tpu.memory_space<hbm>> -> memref<51200x32xf32, #tpu.memory_space<hbm>>
      %dma_start3A_92 = arith.constant 0 : i32
      %dma_start3A_93 = arith.constant 0 : i32
      %dma_start3A_94 = tpu.memref_slice %dma_start3A_91[%dma_start3A_92, %dma_start3A_93] : memref<51200x32xf32, #tpu.memory_space<hbm>> -> memref<51200x32xf32, #tpu.memory_space<hbm>>
      tpu.enqueue_indirect_dma source(%dma_start3A_94 : memref<51200x32xf32, #tpu.memory_space<hbm>>) target(%arg14 : memref<400x32xf32, #tpu.memory_space<vmem>>) offsets(%arg11 : memref<400xi32, #tpu.memory_space<vmem>>) semaphore(%arg17 : memref<!tpu.dma_semaphore, #tpu.memory_space<semaphore_mem>>)
      %dma_wait3A = arith.constant 0 : i32
      %dma_wait3A_95 = arith.constant 0 : i32
      %dma_wait3A_96 = tpu.memref_slice %arg6[%arg0, %dma_wait3A, %dma_wait3A_95] : memref<2x51200x32xf32, #tpu.memory_space<hbm>> -> memref<1x51200x32xf32, #tpu.memory_space<hbm>>
      %dma_wait3A_97 = tpu.memref_squeeze %dma_wait3A_96 : memref<1x51200x32xf32, #tpu.memory_space<hbm>> -> memref<51200x32xf32, #tpu.memory_space<hbm>>
      %dma_wait3A_98 = arith.constant 0 : i32
      %dma_wait3A_99 = arith.constant 0 : i32
      %dma_wait3A_100 = tpu.memref_slice %dma_wait3A_97[%dma_wait3A_98, %dma_wait3A_99] : memref<51200x32xf32, #tpu.memory_space<hbm>> -> memref<51200x32xf32, #tpu.memory_space<hbm>>
      tpu.wait_indirect_dma semaphore(%arg17 : memref<!tpu.dma_semaphore, #tpu.memory_space<semaphore_mem>>) src(%dma_wait3A_100 : memref<51200x32xf32, #tpu.memory_space<hbm>>) dst(%arg14 : memref<400x32xf32, #tpu.memory_space<vmem>>)
      %dma_start3A_101 = arith.constant 0 : i32
      %dma_start3A_102 = arith.constant 0 : i32
      %dma_start3A_103 = tpu.memref_slice %arg9[%dma_start3A_101, %dma_start3A_102] : memref<51200x32xf32, #tpu.memory_space<vmem_shared>> -> memref<51200x32xf32, #tpu.memory_space<vmem_shared>>
      tpu.enqueue_indirect_dma source(%arg14 : memref<400x32xf32, #tpu.memory_space<vmem>>) target(%dma_start3A_103 : memref<51200x32xf32, #tpu.memory_space<vmem_shared>>) offsets(%arg12 : memref<400xi32, #tpu.memory_space<vmem>>) semaphore(%arg18 : memref<!tpu.dma_semaphore, #tpu.memory_space<semaphore_mem>>) {add = true}
      %dma_wait3A_104 = arith.constant 0 : i32
      %dma_wait3A_105 = arith.constant 0 : i32
      %dma_wait3A_106 = tpu.memref_slice %arg9[%dma_wait3A_104, %dma_wait3A_105] : memref<51200x32xf32, #tpu.memory_space<vmem_shared>> -> memref<51200x32xf32, #tpu.memory_space<vmem_shared>>
      tpu.wait_indirect_dma semaphore(%arg18 : memref<!tpu.dma_semaphore, #tpu.memory_space<semaphore_mem>>) src(%arg14 : memref<400x32xf32, #tpu.memory_space<vmem>>) dst(%dma_wait3A_106 : memref<51200x32xf32, #tpu.memory_space<vmem_shared>>)
      %scan3A_107 = arith.constant 0 : i32
      scf.yield %scan3A_107 : i32
    }
    %scan3A_60 = arith.constant 125 : i32
    %barrier3A_61 = arith.constant 0 : index
    tpu.barrier barrier_id(%barrier3A_61)
    "tpu.trace_stop"() : () -> ()
    "tpu.trace_start"() <{level = 10 : i32, message = "ph_ep1"}> : () -> ()
    %scan3A_62 = arith.constant 0 : i32
    %scan3A_63 = arith.constant 0 : i32
    %scan3A_64 = arith.constant 25 : i32
    %scan3A_65 = arith.addi %scan3A_63, %scan3A_64 : i32
    %scan3A_66 = arith.constant 1 : i32
    %scan3A_67 = scf.for %scan3A_85 = %scan3A_63 to %scan3A_65 step %scan3A_66 iter_args(%scan3A_86 = %scan3A_62) -> (i32)  : i32 {
      %mul3A_87 = arith.constant 128 : i32
      %mul3A_88 = arith.muli %scan3A_85, %mul3A_87 : i32
      %add3A = arith.addi %mul3A_1, %mul3A_88 : i32
      "tpu.region"() ({
        %run_scoped3A = tpu.sem_alloc : memref<!tpu.dma_semaphore, #tpu.memory_space<semaphore_mem>>
        %dma_start3A = arith.constant 0 : i32
        %dma_start3A_97 = arith.constant 0 : i32
        %dma_start3A_98 = tpu.memref_slice %arg14[%dma_start3A, %dma_start3A_97] : memref<400x32xf32, #tpu.memory_space<vmem>> -> memref<128x32xf32, #tpu.memory_space<vmem>>
        %dma_start3A_99 = arith.constant 0 : i32
        %dma_start3A_100 = tpu.memref_slice %arg9[%add3A, %dma_start3A_99] : memref<51200x32xf32, #tpu.memory_space<vmem_shared>> -> memref<128x32xf32, #tpu.memory_space<vmem_shared>>
        %dma_start3A_101 = arith.constant 0 : i32
        %dma_start3A_102 = arith.constant 0 : i32
        %dma_start3A_103 = tpu.memref_slice %arg14[%dma_start3A_101, %dma_start3A_102] : memref<400x32xf32, #tpu.memory_space<vmem>> -> memref<128x32xf32, #tpu.memory_space<vmem>>
        %dma_start3A_104 = arith.constant 0 : i32
        %dma_start3A_105 = tpu.memref_slice %arg9[%add3A, %dma_start3A_104] : memref<51200x32xf32, #tpu.memory_space<vmem_shared>> -> memref<128x32xf32, #tpu.memory_space<vmem_shared>>
        tpu.enqueue_dma source(%dma_start3A_105 : memref<128x32xf32, #tpu.memory_space<vmem_shared>>) target(%dma_start3A_103 : memref<128x32xf32, #tpu.memory_space<vmem>>) target_semaphore(%run_scoped3A : memref<!tpu.dma_semaphore, #tpu.memory_space<semaphore_mem>>)
        %dma_wait3A = arith.constant 0 : i32
        %dma_wait3A_106 = arith.constant 0 : i32
        %dma_wait3A_107 = tpu.memref_slice %arg14[%dma_wait3A, %dma_wait3A_106] : memref<400x32xf32, #tpu.memory_space<vmem>> -> memref<128x32xf32, #tpu.memory_space<vmem>>
        %dma_wait3A_108 = arith.constant 0 : i32
        %dma_wait3A_109 = tpu.memref_slice %arg9[%add3A, %dma_wait3A_108] : memref<51200x32xf32, #tpu.memory_space<vmem_shared>> -> memref<128x32xf32, #tpu.memory_space<vmem_shared>>
        %dma_wait3A_110 = arith.constant 0 : i32
        %dma_wait3A_111 = arith.constant 0 : i32
        %dma_wait3A_112 = tpu.memref_slice %arg14[%dma_wait3A_110, %dma_wait3A_111] : memref<400x32xf32, #tpu.memory_space<vmem>> -> memref<128x32xf32, #tpu.memory_space<vmem>>
        %dma_wait3A_113 = arith.constant 0 : i32
        %dma_wait3A_114 = tpu.memref_slice %arg9[%add3A, %dma_wait3A_113] : memref<51200x32xf32, #tpu.memory_space<vmem_shared>> -> memref<128x32xf32, #tpu.memory_space<vmem_shared>>
        tpu.wait_dma2 semaphore(%run_scoped3A : memref<!tpu.dma_semaphore, #tpu.memory_space<semaphore_mem>>) src(%dma_wait3A_114 : memref<128x32xf32, #tpu.memory_space<vmem_shared>>) dst(%dma_wait3A_112 : memref<128x32xf32, #tpu.memory_space<vmem>>)
        tpu.yield
      }) : () -> ()
      "tpu.region"() ({
        %run_scoped3A = tpu.sem_alloc : memref<!tpu.dma_semaphore, #tpu.memory_space<semaphore_mem>>
        %dma_start3A = arith.constant 0 : i32
        %dma_start3A_97 = tpu.memref_slice %arg9[%add3A, %dma_start3A] : memref<51200x32xf32, #tpu.memory_space<vmem_shared>> -> memref<128x32xf32, #tpu.memory_space<vmem_shared>>
        %dma_start3A_98 = arith.constant 0 : i32
        %dma_start3A_99 = tpu.memref_slice %arg9[%add3A, %dma_start3A_98] : memref<51200x32xf32, #tpu.memory_space<vmem_shared>> -> memref<128x32xf32, #tpu.memory_space<vmem_shared>>
        tpu.enqueue_dma source(%arg16 : memref<128x32xf32, #tpu.memory_space<vmem>>) target(%dma_start3A_99 : memref<128x32xf32, #tpu.memory_space<vmem_shared>>) target_semaphore(%run_scoped3A : memref<!tpu.dma_semaphore, #tpu.memory_space<semaphore_mem>>)
        %dma_wait3A = arith.constant 0 : i32
        %dma_wait3A_100 = tpu.memref_slice %arg9[%add3A, %dma_wait3A] : memref<51200x32xf32, #tpu.memory_space<vmem_shared>> -> memref<128x32xf32, #tpu.memory_space<vmem_shared>>
        %dma_wait3A_101 = arith.constant 0 : i32
        %dma_wait3A_102 = tpu.memref_slice %arg9[%add3A, %dma_wait3A_101] : memref<51200x32xf32, #tpu.memory_space<vmem_shared>> -> memref<128x32xf32, #tpu.memory_space<vmem_shared>>
        tpu.wait_dma2 semaphore(%run_scoped3A : memref<!tpu.dma_semaphore, #tpu.memory_space<semaphore_mem>>) src(%arg16 : memref<128x32xf32, #tpu.memory_space<vmem>>) dst(%dma_wait3A_102 : memref<128x32xf32, #tpu.memory_space<vmem_shared>>)
        tpu.yield
      }) : () -> ()
      %scan3A_89 = arith.constant 0 : i32
      %scan3A_90 = arith.constant 0 : i32
      %scan3A_91 = arith.constant 128 : i32
      %scan3A_92 = arith.addi %scan3A_90, %scan3A_91 : i32
      %scan3A_93 = arith.constant 1 : i32
      %scan3A_94 = scf.for %scan3A_97 = %scan3A_90 to %scan3A_92 step %scan3A_93 iter_args(%scan3A_98 = %scan3A_89) -> (i32)  : i32 {
        %mul3A_99 = arith.constant 128 : i32
        %mul3A_100 = arith.muli %scan3A_85, %mul3A_99 : i32
        %add3A_101 = arith.addi %mul3A_100, %scan3A_97 : i32
        %broadcast_in_dim3A_102 = vector.broadcast %add3A_101 : i32 to vector<16xi32>
        %gather3A = tpu.vector_load_idx %arg15[%broadcast_in_dim3A_102] : memref<3200xf32, #tpu.memory_space<vmem>>[vector<16xi32>], vector<16xf32>,
        %get3A = arith.constant 0 : i32
        %get3A_103 = arith.constant 0 : i32
        %get3A_104 = tpu.memref_slice %arg14[%get3A, %get3A_103] : memref<400x32xf32, #tpu.memory_space<vmem>> -> memref<128x32xf32, #tpu.memory_space<vmem>>
        %get3A_105 = arith.index_cast %scan3A_97 : i32 to index
        %get3A_106 = arith.constant 0 : index
        %get3A_107 = tpu.vector_load %get3A_104[%get3A_105, %get3A_106] {strides = array<i32>} : memref<128x32xf32, #tpu.memory_space<vmem>>, vector<16xf32>,
        %mul3A_108 = arith.mulf %get3A_107, %gather3A : vector<16xf32>
        %swap3A = arith.constant 128 : i32
        %swap3A_109 = arith.constant 0 : i32
        %swap3A_110 = tpu.memref_slice %arg14[%swap3A, %swap3A_109] : memref<400x32xf32, #tpu.memory_space<vmem>> -> memref<128x32xf32, #tpu.memory_space<vmem>>
        %swap3A_111 = arith.index_cast %scan3A_97 : i32 to index
        %swap3A_112 = arith.constant 0 : index
        %swap3A_113 = tpu.vector_load %swap3A_110[%swap3A_111, %swap3A_112] {strides = array<i32>} : memref<128x32xf32, #tpu.memory_space<vmem>>, vector<16xf32>,
        tpu.vector_store %swap3A_110[%swap3A_111, %swap3A_112], %mul3A_108 {strides = array<i32>} : memref<128x32xf32, #tpu.memory_space<vmem>>, vector<16xf32>,
        %mul3A_114 = arith.mulf %mul3A_108, %gather3A : vector<16xf32>
        %swap3A_115 = arith.constant 256 : i32
        %swap3A_116 = arith.constant 0 : i32
        %swap3A_117 = tpu.memref_slice %arg14[%swap3A_115, %swap3A_116] : memref<400x32xf32, #tpu.memory_space<vmem>> -> memref<128x32xf32, #tpu.memory_space<vmem>>
        %swap3A_118 = arith.index_cast %scan3A_97 : i32 to index
        %swap3A_119 = arith.constant 0 : index
        %swap3A_120 = tpu.vector_load %swap3A_117[%swap3A_118, %swap3A_119] {strides = array<i32>} : memref<128x32xf32, #tpu.memory_space<vmem>>, vector<16xf32>,
        tpu.vector_store %swap3A_117[%swap3A_118, %swap3A_119], %mul3A_114 {strides = array<i32>} : memref<128x32xf32, #tpu.memory_space<vmem>>, vector<16xf32>,
        %get3A_121 = arith.constant 0 : i32
        %get3A_122 = arith.constant 0 : i32
        %get3A_123 = tpu.memref_slice %arg14[%get3A_121, %get3A_122] : memref<400x32xf32, #tpu.memory_space<vmem>> -> memref<128x32xf32, #tpu.memory_space<vmem>>
        %get3A_124 = arith.index_cast %scan3A_97 : i32 to index
        %get3A_125 = arith.constant 16 : index
        %get3A_126 = tpu.vector_load %get3A_123[%get3A_124, %get3A_125] {strides = array<i32>} : memref<128x32xf32, #tpu.memory_space<vmem>>, vector<16xf32>,
        %mul3A_127 = arith.mulf %get3A_126, %gather3A : vector<16xf32>
        %swap3A_128 = arith.constant 128 : i32
        %swap3A_129 = arith.constant 0 : i32
        %swap3A_130 = tpu.memref_slice %arg14[%swap3A_128, %swap3A_129] : memref<400x32xf32, #tpu.memory_space<vmem>> -> memref<128x32xf32, #tpu.memory_space<vmem>>
        %swap3A_131 = arith.index_cast %scan3A_97 : i32 to index
        %swap3A_132 = arith.constant 16 : index
        %swap3A_133 = tpu.vector_load %swap3A_130[%swap3A_131, %swap3A_132] {strides = array<i32>} : memref<128x32xf32, #tpu.memory_space<vmem>>, vector<16xf32>,
        tpu.vector_store %swap3A_130[%swap3A_131, %swap3A_132], %mul3A_127 {strides = array<i32>} : memref<128x32xf32, #tpu.memory_space<vmem>>, vector<16xf32>,
        %mul3A_134 = arith.mulf %mul3A_127, %gather3A : vector<16xf32>
        %swap3A_135 = arith.constant 256 : i32
        %swap3A_136 = arith.constant 0 : i32
        %swap3A_137 = tpu.memref_slice %arg14[%swap3A_135, %swap3A_136] : memref<400x32xf32, #tpu.memory_space<vmem>> -> memref<128x32xf32, #tpu.memory_space<vmem>>
        %swap3A_138 = arith.index_cast %scan3A_97 : i32 to index
        %swap3A_139 = arith.constant 16 : index
        %swap3A_140 = tpu.vector_load %swap3A_137[%swap3A_138, %swap3A_139] {strides = array<i32>} : memref<128x32xf32, #tpu.memory_space<vmem>>, vector<16xf32>,
        tpu.vector_store %swap3A_137[%swap3A_138, %swap3A_139], %mul3A_134 {strides = array<i32>} : memref<128x32xf32, #tpu.memory_space<vmem>>, vector<16xf32>,
        %scan3A_141 = arith.constant 0 : i32
        scf.yield %scan3A_141 : i32
      }
      %scan3A_95 = arith.constant 128 : i32
      "tpu.region"() ({
        %run_scoped3A = tpu.sem_alloc : memref<!tpu.dma_semaphore, #tpu.memory_space<semaphore_mem>>
        %dma_start3A = arith.constant 128 : i32
        %dma_start3A_97 = arith.constant 0 : i32
        %dma_start3A_98 = tpu.memref_slice %arg14[%dma_start3A, %dma_start3A_97] : memref<400x32xf32, #tpu.memory_space<vmem>> -> memref<128x32xf32, #tpu.memory_space<vmem>>
        %dma_start3A_99 = arith.constant 0 : i32
        %dma_start3A_100 = arith.constant 0 : i32
        %dma_start3A_101 = tpu.memref_slice %arg7[%arg0, %dma_start3A_99, %dma_start3A_100] : memref<2x51200x32xf32, #tpu.memory_space<hbm>> -> memref<1x51200x32xf32, #tpu.memory_space<hbm>>
        %dma_start3A_102 = tpu.memref_squeeze %dma_start3A_101 : memref<1x51200x32xf32, #tpu.memory_space<hbm>> -> memref<51200x32xf32, #tpu.memory_space<hbm>>
        %dma_start3A_103 = arith.constant 0 : i32
        %dma_start3A_104 = tpu.memref_slice %dma_start3A_102[%add3A, %dma_start3A_103] : memref<51200x32xf32, #tpu.memory_space<hbm>> -> memref<128x32xf32, #tpu.memory_space<hbm>>
        %dma_start3A_105 = arith.constant 0 : i32
        %dma_start3A_106 = arith.constant 0 : i32
        %dma_start3A_107 = tpu.memref_slice %arg7[%arg0, %dma_start3A_105, %dma_start3A_106] : memref<2x51200x32xf32, #tpu.memory_space<hbm>> -> memref<1x51200x32xf32, #tpu.memory_space<hbm>>
        %dma_start3A_108 = tpu.memref_squeeze %dma_start3A_107 : memref<1x51200x32xf32, #tpu.memory_space<hbm>> -> memref<51200x32xf32, #tpu.memory_space<hbm>>
        %dma_start3A_109 = arith.constant 0 : i32
        %dma_start3A_110 = tpu.memref_slice %dma_start3A_108[%add3A, %dma_start3A_109] : memref<51200x32xf32, #tpu.memory_space<hbm>> -> memref<128x32xf32, #tpu.memory_space<hbm>>
        %dma_start3A_111 = arith.constant 128 : i32
        %dma_start3A_112 = arith.constant 0 : i32
        %dma_start3A_113 = tpu.memref_slice %arg14[%dma_start3A_111, %dma_start3A_112] : memref<400x32xf32, #tpu.memory_space<vmem>> -> memref<128x32xf32, #tpu.memory_space<vmem>>
        tpu.enqueue_dma source(%dma_start3A_113 : memref<128x32xf32, #tpu.memory_space<vmem>>) target(%dma_start3A_110 : memref<128x32xf32, #tpu.memory_space<hbm>>) target_semaphore(%run_scoped3A : memref<!tpu.dma_semaphore, #tpu.memory_space<semaphore_mem>>)
        %dma_wait3A = arith.constant 128 : i32
        %dma_wait3A_114 = arith.constant 0 : i32
        %dma_wait3A_115 = tpu.memref_slice %arg14[%dma_wait3A, %dma_wait3A_114] : memref<400x32xf32, #tpu.memory_space<vmem>> -> memref<128x32xf32, #tpu.memory_space<vmem>>
        %dma_wait3A_116 = arith.constant 0 : i32
        %dma_wait3A_117 = arith.constant 0 : i32
        %dma_wait3A_118 = tpu.memref_slice %arg7[%arg0, %dma_wait3A_116, %dma_wait3A_117] : memref<2x51200x32xf32, #tpu.memory_space<hbm>> -> memref<1x51200x32xf32, #tpu.memory_space<hbm>>
        %dma_wait3A_119 = tpu.memref_squeeze %dma_wait3A_118 : memref<1x51200x32xf32, #tpu.memory_space<hbm>> -> memref<51200x32xf32, #tpu.memory_space<hbm>>
        %dma_wait3A_120 = arith.constant 0 : i32
        %dma_wait3A_121 = tpu.memref_slice %dma_wait3A_119[%add3A, %dma_wait3A_120] : memref<51200x32xf32, #tpu.memory_space<hbm>> -> memref<128x32xf32, #tpu.memory_space<hbm>>
        %dma_wait3A_122 = arith.constant 0 : i32
        %dma_wait3A_123 = arith.constant 0 : i32
        %dma_wait3A_124 = tpu.memref_slice %arg7[%arg0, %dma_wait3A_122, %dma_wait3A_123] : memref<2x51200x32xf32, #tpu.memory_space<hbm>> -> memref<1x51200x32xf32, #tpu.memory_space<hbm>>
        %dma_wait3A_125 = tpu.memref_squeeze %dma_wait3A_124 : memref<1x51200x32xf32, #tpu.memory_space<hbm>> -> memref<51200x32xf32, #tpu.memory_space<hbm>>
        %dma_wait3A_126 = arith.constant 0 : i32
        %dma_wait3A_127 = tpu.memref_slice %dma_wait3A_125[%add3A, %dma_wait3A_126] : memref<51200x32xf32, #tpu.memory_space<hbm>> -> memref<128x32xf32, #tpu.memory_space<hbm>>
        %dma_wait3A_128 = arith.constant 128 : i32
        %dma_wait3A_129 = arith.constant 0 : i32
        %dma_wait3A_130 = tpu.memref_slice %arg14[%dma_wait3A_128, %dma_wait3A_129] : memref<400x32xf32, #tpu.memory_space<vmem>> -> memref<128x32xf32, #tpu.memory_space<vmem>>
        tpu.wait_dma2 semaphore(%run_scoped3A : memref<!tpu.dma_semaphore, #tpu.memory_space<semaphore_mem>>) src(%dma_wait3A_130 : memref<128x32xf32, #tpu.memory_space<vmem>>) dst(%dma_wait3A_127 : memref<128x32xf32, #tpu.memory_space<hbm>>)
        tpu.yield
      }) : () -> ()
      "tpu.region"() ({
        %run_scoped3A = tpu.sem_alloc : memref<!tpu.dma_semaphore, #tpu.memory_space<semaphore_mem>>
        %dma_start3A = arith.constant 256 : i32
        %dma_start3A_97 = arith.constant 0 : i32
        %dma_start3A_98 = tpu.memref_slice %arg14[%dma_start3A, %dma_start3A_97] : memref<400x32xf32, #tpu.memory_space<vmem>> -> memref<128x32xf32, #tpu.memory_space<vmem>>
        %dma_start3A_99 = arith.constant 0 : i32
        %dma_start3A_100 = arith.constant 0 : i32
        %dma_start3A_101 = tpu.memref_slice %arg8[%arg0, %dma_start3A_99, %dma_start3A_100] : memref<2x51200x32xf32, #tpu.memory_space<hbm>> -> memref<1x51200x32xf32, #tpu.memory_space<hbm>>
        %dma_start3A_102 = tpu.memref_squeeze %dma_start3A_101 : memref<1x51200x32xf32, #tpu.memory_space<hbm>> -> memref<51200x32xf32, #tpu.memory_space<hbm>>
        %dma_start3A_103 = arith.constant 0 : i32
        %dma_start3A_104 = tpu.memref_slice %dma_start3A_102[%add3A, %dma_start3A_103] : memref<51200x32xf32, #tpu.memory_space<hbm>> -> memref<128x32xf32, #tpu.memory_space<hbm>>
        %dma_start3A_105 = arith.constant 0 : i32
        %dma_start3A_106 = arith.constant 0 : i32
        %dma_start3A_107 = tpu.memref_slice %arg8[%arg0, %dma_start3A_105, %dma_start3A_106] : memref<2x51200x32xf32, #tpu.memory_space<hbm>> -> memref<1x51200x32xf32, #tpu.memory_space<hbm>>
        %dma_start3A_108 = tpu.memref_squeeze %dma_start3A_107 : memref<1x51200x32xf32, #tpu.memory_space<hbm>> -> memref<51200x32xf32, #tpu.memory_space<hbm>>
        %dma_start3A_109 = arith.constant 0 : i32
        %dma_start3A_110 = tpu.memref_slice %dma_start3A_108[%add3A, %dma_start3A_109] : memref<51200x32xf32, #tpu.memory_space<hbm>> -> memref<128x32xf32, #tpu.memory_space<hbm>>
        %dma_start3A_111 = arith.constant 256 : i32
        %dma_start3A_112 = arith.constant 0 : i32
        %dma_start3A_113 = tpu.memref_slice %arg14[%dma_start3A_111, %dma_start3A_112] : memref<400x32xf32, #tpu.memory_space<vmem>> -> memref<128x32xf32, #tpu.memory_space<vmem>>
        tpu.enqueue_dma source(%dma_start3A_113 : memref<128x32xf32, #tpu.memory_space<vmem>>) target(%dma_start3A_110 : memref<128x32xf32, #tpu.memory_space<hbm>>) target_semaphore(%run_scoped3A : memref<!tpu.dma_semaphore, #tpu.memory_space<semaphore_mem>>)
        %dma_wait3A = arith.constant 256 : i32
        %dma_wait3A_114 = arith.constant 0 : i32
        %dma_wait3A_115 = tpu.memref_slice %arg14[%dma_wait3A, %dma_wait3A_114] : memref<400x32xf32, #tpu.memory_space<vmem>> -> memref<128x32xf32, #tpu.memory_space<vmem>>
        %dma_wait3A_116 = arith.constant 0 : i32
        %dma_wait3A_117 = arith.constant 0 : i32
        %dma_wait3A_118 = tpu.memref_slice %arg8[%arg0, %dma_wait3A_116, %dma_wait3A_117] : memref<2x51200x32xf32, #tpu.memory_space<hbm>> -> memref<1x51200x32xf32, #tpu.memory_space<hbm>>
        %dma_wait3A_119 = tpu.memref_squeeze %dma_wait3A_118 : memref<1x51200x32xf32, #tpu.memory_space<hbm>> -> memref<51200x32xf32, #tpu.memory_space<hbm>>
        %dma_wait3A_120 = arith.constant 0 : i32
        %dma_wait3A_121 = tpu.memref_slice %dma_wait3A_119[%add3A, %dma_wait3A_120] : memref<51200x32xf32, #tpu.memory_space<hbm>> -> memref<128x32xf32, #tpu.memory_space<hbm>>
        %dma_wait3A_122 = arith.constant 0 : i32
        %dma_wait3A_123 = arith.constant 0 : i32
        %dma_wait3A_124 = tpu.memref_slice %arg8[%arg0, %dma_wait3A_122, %dma_wait3A_123] : memref<2x51200x32xf32, #tpu.memory_space<hbm>> -> memref<1x51200x32xf32, #tpu.memory_space<hbm>>
        %dma_wait3A_125 = tpu.memref_squeeze %dma_wait3A_124 : memref<1x51200x32xf32, #tpu.memory_space<hbm>> -> memref<51200x32xf32, #tpu.memory_space<hbm>>
        %dma_wait3A_126 = arith.constant 0 : i32
        %dma_wait3A_127 = tpu.memref_slice %dma_wait3A_125[%add3A, %dma_wait3A_126] : memref<51200x32xf32, #tpu.memory_space<hbm>> -> memref<128x32xf32, #tpu.memory_space<hbm>>
        %dma_wait3A_128 = arith.constant 256 : i32
        %dma_wait3A_129 = arith.constant 0 : i32
        %dma_wait3A_130 = tpu.memref_slice %arg14[%dma_wait3A_128, %dma_wait3A_129] : memref<400x32xf32, #tpu.memory_space<vmem>> -> memref<128x32xf32, #tpu.memory_space<vmem>>
        tpu.wait_dma2 semaphore(%run_scoped3A : memref<!tpu.dma_semaphore, #tpu.memory_space<semaphore_mem>>) src(%dma_wait3A_130 : memref<128x32xf32, #tpu.memory_space<vmem>>) dst(%dma_wait3A_127 : memref<128x32xf32, #tpu.memory_space<hbm>>)
        tpu.yield
      }) : () -> ()
      %scan3A_96 = arith.constant 0 : i32
      scf.yield %scan3A_96 : i32
    }
    %scan3A_68 = arith.constant 25 : i32
    %barrier3A_69 = arith.constant 0 : index
    tpu.barrier barrier_id(%barrier3A_69)
    "tpu.trace_stop"() : () -> ()
    "tpu.trace_start"() <{level = 10 : i32, message = "ph_spass"}> : () -> ()
    %scan3A_70 = arith.constant 0 : i32
    %scan3A_71 = arith.constant 0 : i32
    %scan3A_72 = arith.constant 125 : i32
    %scan3A_73 = arith.addi %scan3A_71, %scan3A_72 : i32
    %scan3A_74 = arith.constant 1 : i32
    %scan3A_75 = scf.for %scan3A_85 = %scan3A_71 to %scan3A_73 step %scan3A_74 iter_args(%scan3A_86 = %scan3A_70) -> (i32)  : i32 {
      %mul3A_87 = arith.constant 400 : i32
      %mul3A_88 = arith.muli %scan3A_85, %mul3A_87 : i32
      %add3A = arith.addi %mul3A_3, %mul3A_88 : i32
      "tpu.region"() ({
        %run_scoped3A = tpu.sem_alloc : memref<!tpu.dma_semaphore, #tpu.memory_space<semaphore_mem>>
        %dma_start3A_108 = tpu.memref_slice %arg3[%add3A] : memref<800000xi32, #tpu.memory_space<hbm>> -> memref<400xi32, #tpu.memory_space<hbm>>
        %dma_start3A_109 = tpu.memref_slice %arg3[%add3A] : memref<800000xi32, #tpu.memory_space<hbm>> -> memref<400xi32, #tpu.memory_space<hbm>>
        tpu.enqueue_dma source(%dma_start3A_109 : memref<400xi32, #tpu.memory_space<hbm>>) target(%arg11 : memref<400xi32, #tpu.memory_space<vmem>>) target_semaphore(%run_scoped3A : memref<!tpu.dma_semaphore, #tpu.memory_space<semaphore_mem>>)
        %dma_wait3A_110 = tpu.memref_slice %arg3[%add3A] : memref<800000xi32, #tpu.memory_space<hbm>> -> memref<400xi32, #tpu.memory_space<hbm>>
        %dma_wait3A_111 = tpu.memref_slice %arg3[%add3A] : memref<800000xi32, #tpu.memory_space<hbm>> -> memref<400xi32, #tpu.memory_space<hbm>>
        tpu.wait_dma2 semaphore(%run_scoped3A : memref<!tpu.dma_semaphore, #tpu.memory_space<semaphore_mem>>) src(%dma_wait3A_111 : memref<400xi32, #tpu.memory_space<hbm>>) dst(%arg11 : memref<400xi32, #tpu.memory_space<vmem>>)
        tpu.yield
      }) : () -> ()
      "tpu.region"() ({
        %run_scoped3A = tpu.sem_alloc : memref<!tpu.dma_semaphore, #tpu.memory_space<semaphore_mem>>
        %dma_start3A_108 = tpu.memref_slice %arg4[%add3A] : memref<800000xi32, #tpu.memory_space<hbm>> -> memref<400xi32, #tpu.memory_space<hbm>>
        %dma_start3A_109 = tpu.memref_slice %arg4[%add3A] : memref<800000xi32, #tpu.memory_space<hbm>> -> memref<400xi32, #tpu.memory_space<hbm>>
        tpu.enqueue_dma source(%dma_start3A_109 : memref<400xi32, #tpu.memory_space<hbm>>) target(%arg12 : memref<400xi32, #tpu.memory_space<vmem>>) target_semaphore(%run_scoped3A : memref<!tpu.dma_semaphore, #tpu.memory_space<semaphore_mem>>)
        %dma_wait3A_110 = tpu.memref_slice %arg4[%add3A] : memref<800000xi32, #tpu.memory_space<hbm>> -> memref<400xi32, #tpu.memory_space<hbm>>
        %dma_wait3A_111 = tpu.memref_slice %arg4[%add3A] : memref<800000xi32, #tpu.memory_space<hbm>> -> memref<400xi32, #tpu.memory_space<hbm>>
        tpu.wait_dma2 semaphore(%run_scoped3A : memref<!tpu.dma_semaphore, #tpu.memory_space<semaphore_mem>>) src(%dma_wait3A_111 : memref<400xi32, #tpu.memory_space<hbm>>) dst(%arg12 : memref<400xi32, #tpu.memory_space<vmem>>)
        tpu.yield
      }) : () -> ()
      %dma_start3A = arith.constant 0 : i32
      %dma_start3A_89 = arith.constant 0 : i32
      %dma_start3A_90 = tpu.memref_slice %arg8[%arg0, %dma_start3A, %dma_start3A_89] : memref<2x51200x32xf32, #tpu.memory_space<hbm>> -> memref<1x51200x32xf32, #tpu.memory_space<hbm>>
      %dma_start3A_91 = tpu.memref_squeeze %dma_start3A_90 : memref<1x51200x32xf32, #tpu.memory_space<hbm>> -> memref<51200x32xf32, #tpu.memory_space<hbm>>
      %dma_start3A_92 = arith.constant 0 : i32
      %dma_start3A_93 = arith.constant 0 : i32
      %dma_start3A_94 = tpu.memref_slice %dma_start3A_91[%dma_start3A_92, %dma_start3A_93] : memref<51200x32xf32, #tpu.memory_space<hbm>> -> memref<51200x32xf32, #tpu.memory_space<hbm>>
      tpu.enqueue_indirect_dma source(%dma_start3A_94 : memref<51200x32xf32, #tpu.memory_space<hbm>>) target(%arg14 : memref<400x32xf32, #tpu.memory_space<vmem>>) offsets(%arg11 : memref<400xi32, #tpu.memory_space<vmem>>) semaphore(%arg17 : memref<!tpu.dma_semaphore, #tpu.memory_space<semaphore_mem>>)
      %dma_wait3A = arith.constant 0 : i32
      %dma_wait3A_95 = arith.constant 0 : i32
      %dma_wait3A_96 = tpu.memref_slice %arg8[%arg0, %dma_wait3A, %dma_wait3A_95] : memref<2x51200x32xf32, #tpu.memory_space<hbm>> -> memref<1x51200x32xf32, #tpu.memory_space<hbm>>
      %dma_wait3A_97 = tpu.memref_squeeze %dma_wait3A_96 : memref<1x51200x32xf32, #tpu.memory_space<hbm>> -> memref<51200x32xf32, #tpu.memory_space<hbm>>
      %dma_wait3A_98 = arith.constant 0 : i32
      %dma_wait3A_99 = arith.constant 0 : i32
      %dma_wait3A_100 = tpu.memref_slice %dma_wait3A_97[%dma_wait3A_98, %dma_wait3A_99] : memref<51200x32xf32, #tpu.memory_space<hbm>> -> memref<51200x32xf32, #tpu.memory_space<hbm>>
      tpu.wait_indirect_dma semaphore(%arg17 : memref<!tpu.dma_semaphore, #tpu.memory_space<semaphore_mem>>) src(%dma_wait3A_100 : memref<51200x32xf32, #tpu.memory_space<hbm>>) dst(%arg14 : memref<400x32xf32, #tpu.memory_space<vmem>>)
      %dma_start3A_101 = arith.constant 0 : i32
      %dma_start3A_102 = arith.constant 0 : i32
      %dma_start3A_103 = tpu.memref_slice %arg9[%dma_start3A_101, %dma_start3A_102] : memref<51200x32xf32, #tpu.memory_space<vmem_shared>> -> memref<51200x32xf32, #tpu.memory_space<vmem_shared>>
      tpu.enqueue_indirect_dma source(%arg14 : memref<400x32xf32, #tpu.memory_space<vmem>>) target(%dma_start3A_103 : memref<51200x32xf32, #tpu.memory_space<vmem_shared>>) offsets(%arg12 : memref<400xi32, #tpu.memory_space<vmem>>) semaphore(%arg18 : memref<!tpu.dma_semaphore, #tpu.memory_space<semaphore_mem>>) {add = true}
      %dma_wait3A_104 = arith.constant 0 : i32
      %dma_wait3A_105 = arith.constant 0 : i32
      %dma_wait3A_106 = tpu.memref_slice %arg9[%dma_wait3A_104, %dma_wait3A_105] : memref<51200x32xf32, #tpu.memory_space<vmem_shared>> -> memref<51200x32xf32, #tpu.memory_space<vmem_shared>>
      tpu.wait_indirect_dma semaphore(%arg18 : memref<!tpu.dma_semaphore, #tpu.memory_space<semaphore_mem>>) src(%arg14 : memref<400x32xf32, #tpu.memory_space<vmem>>) dst(%dma_wait3A_106 : memref<51200x32xf32, #tpu.memory_space<vmem_shared>>)
      %scan3A_107 = arith.constant 0 : i32
      scf.yield %scan3A_107 : i32
    }
    %scan3A_76 = arith.constant 125 : i32
    %barrier3A_77 = arith.constant 0 : index
    tpu.barrier barrier_id(%barrier3A_77)
    "tpu.trace_stop"() : () -> ()
    "tpu.trace_start"() <{level = 10 : i32, message = "ph_ep2"}> : () -> ()
    %scan3A_78 = arith.constant 0 : i32
    %scan3A_79 = arith.constant 0 : i32
    %scan3A_80 = arith.constant 25 : i32
    %scan3A_81 = arith.addi %scan3A_79, %scan3A_80 : i32
    %scan3A_82 = arith.constant 1 : i32
    %scan3A_83 = scf.for %scan3A_85 = %scan3A_79 to %scan3A_81 step %scan3A_82 iter_args(%scan3A_86 = %scan3A_78) -> (i32)  : i32 {
      %mul3A_87 = arith.constant 128 : i32
      %mul3A_88 = arith.muli %scan3A_85, %mul3A_87 : i32
      %add3A = arith.addi %mul3A_1, %mul3A_88 : i32
      "tpu.region"() ({
        %run_scoped3A = tpu.sem_alloc : memref<!tpu.dma_semaphore, #tpu.memory_space<semaphore_mem>>
        %dma_start3A = arith.constant 0 : i32
        %dma_start3A_97 = arith.constant 0 : i32
        %dma_start3A_98 = tpu.memref_slice %arg14[%dma_start3A, %dma_start3A_97] : memref<400x32xf32, #tpu.memory_space<vmem>> -> memref<128x32xf32, #tpu.memory_space<vmem>>
        %dma_start3A_99 = arith.constant 0 : i32
        %dma_start3A_100 = tpu.memref_slice %arg9[%add3A, %dma_start3A_99] : memref<51200x32xf32, #tpu.memory_space<vmem_shared>> -> memref<128x32xf32, #tpu.memory_space<vmem_shared>>
        %dma_start3A_101 = arith.constant 0 : i32
        %dma_start3A_102 = arith.constant 0 : i32
        %dma_start3A_103 = tpu.memref_slice %arg14[%dma_start3A_101, %dma_start3A_102] : memref<400x32xf32, #tpu.memory_space<vmem>> -> memref<128x32xf32, #tpu.memory_space<vmem>>
        %dma_start3A_104 = arith.constant 0 : i32
        %dma_start3A_105 = tpu.memref_slice %arg9[%add3A, %dma_start3A_104] : memref<51200x32xf32, #tpu.memory_space<vmem_shared>> -> memref<128x32xf32, #tpu.memory_space<vmem_shared>>
        tpu.enqueue_dma source(%dma_start3A_105 : memref<128x32xf32, #tpu.memory_space<vmem_shared>>) target(%dma_start3A_103 : memref<128x32xf32, #tpu.memory_space<vmem>>) target_semaphore(%run_scoped3A : memref<!tpu.dma_semaphore, #tpu.memory_space<semaphore_mem>>)
        %dma_wait3A = arith.constant 0 : i32
        %dma_wait3A_106 = arith.constant 0 : i32
        %dma_wait3A_107 = tpu.memref_slice %arg14[%dma_wait3A, %dma_wait3A_106] : memref<400x32xf32, #tpu.memory_space<vmem>> -> memref<128x32xf32, #tpu.memory_space<vmem>>
        %dma_wait3A_108 = arith.constant 0 : i32
        %dma_wait3A_109 = tpu.memref_slice %arg9[%add3A, %dma_wait3A_108] : memref<51200x32xf32, #tpu.memory_space<vmem_shared>> -> memref<128x32xf32, #tpu.memory_space<vmem_shared>>
        %dma_wait3A_110 = arith.constant 0 : i32
        %dma_wait3A_111 = arith.constant 0 : i32
        %dma_wait3A_112 = tpu.memref_slice %arg14[%dma_wait3A_110, %dma_wait3A_111] : memref<400x32xf32, #tpu.memory_space<vmem>> -> memref<128x32xf32, #tpu.memory_space<vmem>>
        %dma_wait3A_113 = arith.constant 0 : i32
        %dma_wait3A_114 = tpu.memref_slice %arg9[%add3A, %dma_wait3A_113] : memref<51200x32xf32, #tpu.memory_space<vmem_shared>> -> memref<128x32xf32, #tpu.memory_space<vmem_shared>>
        tpu.wait_dma2 semaphore(%run_scoped3A : memref<!tpu.dma_semaphore, #tpu.memory_space<semaphore_mem>>) src(%dma_wait3A_114 : memref<128x32xf32, #tpu.memory_space<vmem_shared>>) dst(%dma_wait3A_112 : memref<128x32xf32, #tpu.memory_space<vmem>>)
        tpu.yield
      }) : () -> ()
      "tpu.region"() ({
        %run_scoped3A = tpu.sem_alloc : memref<!tpu.dma_semaphore, #tpu.memory_space<semaphore_mem>>
        %dma_start3A = arith.constant 128 : i32
        %dma_start3A_97 = arith.constant 0 : i32
        %dma_start3A_98 = tpu.memref_slice %arg14[%dma_start3A, %dma_start3A_97] : memref<400x32xf32, #tpu.memory_space<vmem>> -> memref<128x32xf32, #tpu.memory_space<vmem>>
        %dma_start3A_99 = arith.constant 0 : i32
        %dma_start3A_100 = arith.constant 0 : i32
        %dma_start3A_101 = tpu.memref_slice %arg2[%arg0, %dma_start3A_99, %dma_start3A_100] : memref<2x51200x32xf32, #tpu.memory_space<hbm>> -> memref<1x51200x32xf32, #tpu.memory_space<hbm>>
        %dma_start3A_102 = tpu.memref_squeeze %dma_start3A_101 : memref<1x51200x32xf32, #tpu.memory_space<hbm>> -> memref<51200x32xf32, #tpu.memory_space<hbm>>
        %dma_start3A_103 = arith.constant 0 : i32
        %dma_start3A_104 = tpu.memref_slice %dma_start3A_102[%add3A, %dma_start3A_103] : memref<51200x32xf32, #tpu.memory_space<hbm>> -> memref<128x32xf32, #tpu.memory_space<hbm>>
        %dma_start3A_105 = arith.constant 128 : i32
        %dma_start3A_106 = arith.constant 0 : i32
        %dma_start3A_107 = tpu.memref_slice %arg14[%dma_start3A_105, %dma_start3A_106] : memref<400x32xf32, #tpu.memory_space<vmem>> -> memref<128x32xf32, #tpu.memory_space<vmem>>
        %dma_start3A_108 = arith.constant 0 : i32
        %dma_start3A_109 = arith.constant 0 : i32
        %dma_start3A_110 = tpu.memref_slice %arg2[%arg0, %dma_start3A_108, %dma_start3A_109] : memref<2x51200x32xf32, #tpu.memory_space<hbm>> -> memref<1x51200x32xf32, #tpu.memory_space<hbm>>
        %dma_start3A_111 = tpu.memref_squeeze %dma_start3A_110 : memref<1x51200x32xf32, #tpu.memory_space<hbm>> -> memref<51200x32xf32, #tpu.memory_space<hbm>>
        %dma_start3A_112 = arith.constant 0 : i32
        %dma_start3A_113 = tpu.memref_slice %dma_start3A_111[%add3A, %dma_start3A_112] : memref<51200x32xf32, #tpu.memory_space<hbm>> -> memref<128x32xf32, #tpu.memory_space<hbm>>
        tpu.enqueue_dma source(%dma_start3A_113 : memref<128x32xf32, #tpu.memory_space<hbm>>) target(%dma_start3A_107 : memref<128x32xf32, #tpu.memory_space<vmem>>) target_semaphore(%run_scoped3A : memref<!tpu.dma_semaphore, #tpu.memory_space<semaphore_mem>>)
        %dma_wait3A = arith.constant 128 : i32
        %dma_wait3A_114 = arith.constant 0 : i32
        %dma_wait3A_115 = tpu.memref_slice %arg14[%dma_wait3A, %dma_wait3A_114] : memref<400x32xf32, #tpu.memory_space<vmem>> -> memref<128x32xf32, #tpu.memory_space<vmem>>
        %dma_wait3A_116 = arith.constant 0 : i32
        %dma_wait3A_117 = arith.constant 0 : i32
        %dma_wait3A_118 = tpu.memref_slice %arg2[%arg0, %dma_wait3A_116, %dma_wait3A_117] : memref<2x51200x32xf32, #tpu.memory_space<hbm>> -> memref<1x51200x32xf32, #tpu.memory_space<hbm>>
        %dma_wait3A_119 = tpu.memref_squeeze %dma_wait3A_118 : memref<1x51200x32xf32, #tpu.memory_space<hbm>> -> memref<51200x32xf32, #tpu.memory_space<hbm>>
        %dma_wait3A_120 = arith.constant 0 : i32
        %dma_wait3A_121 = tpu.memref_slice %dma_wait3A_119[%add3A, %dma_wait3A_120] : memref<51200x32xf32, #tpu.memory_space<hbm>> -> memref<128x32xf32, #tpu.memory_space<hbm>>
        %dma_wait3A_122 = arith.constant 128 : i32
        %dma_wait3A_123 = arith.constant 0 : i32
        %dma_wait3A_124 = tpu.memref_slice %arg14[%dma_wait3A_122, %dma_wait3A_123] : memref<400x32xf32, #tpu.memory_space<vmem>> -> memref<128x32xf32, #tpu.memory_space<vmem>>
        %dma_wait3A_125 = arith.constant 0 : i32
        %dma_wait3A_126 = arith.constant 0 : i32
        %dma_wait3A_127 = tpu.memref_slice %arg2[%arg0, %dma_wait3A_125, %dma_wait3A_126] : memref<2x51200x32xf32, #tpu.memory_space<hbm>> -> memref<1x51200x32xf32, #tpu.memory_space<hbm>>
        %dma_wait3A_128 = tpu.memref_squeeze %dma_wait3A_127 : memref<1x51200x32xf32, #tpu.memory_space<hbm>> -> memref<51200x32xf32, #tpu.memory_space<hbm>>
        %dma_wait3A_129 = arith.constant 0 : i32
        %dma_wait3A_130 = tpu.memref_slice %dma_wait3A_128[%add3A, %dma_wait3A_129] : memref<51200x32xf32, #tpu.memory_space<hbm>> -> memref<128x32xf32, #tpu.memory_space<hbm>>
        tpu.wait_dma2 semaphore(%run_scoped3A : memref<!tpu.dma_semaphore, #tpu.memory_space<semaphore_mem>>) src(%dma_wait3A_130 : memref<128x32xf32, #tpu.memory_space<hbm>>) dst(%dma_wait3A_124 : memref<128x32xf32, #tpu.memory_space<vmem>>)
        tpu.yield
      }) : () -> ()
      "tpu.region"() ({
        %run_scoped3A = tpu.sem_alloc : memref<!tpu.dma_semaphore, #tpu.memory_space<semaphore_mem>>
        %dma_start3A = arith.constant 256 : i32
        %dma_start3A_97 = arith.constant 0 : i32
        %dma_start3A_98 = tpu.memref_slice %arg14[%dma_start3A, %dma_start3A_97] : memref<400x32xf32, #tpu.memory_space<vmem>> -> memref<128x32xf32, #tpu.memory_space<vmem>>
        %dma_start3A_99 = arith.constant 0 : i32
        %dma_start3A_100 = arith.constant 0 : i32
        %dma_start3A_101 = tpu.memref_slice %arg7[%arg0, %dma_start3A_99, %dma_start3A_100] : memref<2x51200x32xf32, #tpu.memory_space<hbm>> -> memref<1x51200x32xf32, #tpu.memory_space<hbm>>
        %dma_start3A_102 = tpu.memref_squeeze %dma_start3A_101 : memref<1x51200x32xf32, #tpu.memory_space<hbm>> -> memref<51200x32xf32, #tpu.memory_space<hbm>>
        %dma_start3A_103 = arith.constant 0 : i32
        %dma_start3A_104 = tpu.memref_slice %dma_start3A_102[%add3A, %dma_start3A_103] : memref<51200x32xf32, #tpu.memory_space<hbm>> -> memref<128x32xf32, #tpu.memory_space<hbm>>
        %dma_start3A_105 = arith.constant 256 : i32
        %dma_start3A_106 = arith.constant 0 : i32
        %dma_start3A_107 = tpu.memref_slice %arg14[%dma_start3A_105, %dma_start3A_106] : memref<400x32xf32, #tpu.memory_space<vmem>> -> memref<128x32xf32, #tpu.memory_space<vmem>>
        %dma_start3A_108 = arith.constant 0 : i32
        %dma_start3A_109 = arith.constant 0 : i32
        %dma_start3A_110 = tpu.memref_slice %arg7[%arg0, %dma_start3A_108, %dma_start3A_109] : memref<2x51200x32xf32, #tpu.memory_space<hbm>> -> memref<1x51200x32xf32, #tpu.memory_space<hbm>>
        %dma_start3A_111 = tpu.memref_squeeze %dma_start3A_110 : memref<1x51200x32xf32, #tpu.memory_space<hbm>> -> memref<51200x32xf32, #tpu.memory_space<hbm>>
        %dma_start3A_112 = arith.constant 0 : i32
        %dma_start3A_113 = tpu.memref_slice %dma_start3A_111[%add3A, %dma_start3A_112] : memref<51200x32xf32, #tpu.memory_space<hbm>> -> memref<128x32xf32, #tpu.memory_space<hbm>>
        tpu.enqueue_dma source(%dma_start3A_113 : memref<128x32xf32, #tpu.memory_space<hbm>>) target(%dma_start3A_107 : memref<128x32xf32, #tpu.memory_space<vmem>>) target_semaphore(%run_scoped3A : memref<!tpu.dma_semaphore, #tpu.memory_space<semaphore_mem>>)
        %dma_wait3A = arith.constant 256 : i32
        %dma_wait3A_114 = arith.constant 0 : i32
        %dma_wait3A_115 = tpu.memref_slice %arg14[%dma_wait3A, %dma_wait3A_114] : memref<400x32xf32, #tpu.memory_space<vmem>> -> memref<128x32xf32, #tpu.memory_space<vmem>>
        %dma_wait3A_116 = arith.constant 0 : i32
        %dma_wait3A_117 = arith.constant 0 : i32
        %dma_wait3A_118 = tpu.memref_slice %arg7[%arg0, %dma_wait3A_116, %dma_wait3A_117] : memref<2x51200x32xf32, #tpu.memory_space<hbm>> -> memref<1x51200x32xf32, #tpu.memory_space<hbm>>
        %dma_wait3A_119 = tpu.memref_squeeze %dma_wait3A_118 : memref<1x51200x32xf32, #tpu.memory_space<hbm>> -> memref<51200x32xf32, #tpu.memory_space<hbm>>
        %dma_wait3A_120 = arith.constant 0 : i32
        %dma_wait3A_121 = tpu.memref_slice %dma_wait3A_119[%add3A, %dma_wait3A_120] : memref<51200x32xf32, #tpu.memory_space<hbm>> -> memref<128x32xf32, #tpu.memory_space<hbm>>
        %dma_wait3A_122 = arith.constant 256 : i32
        %dma_wait3A_123 = arith.constant 0 : i32
        %dma_wait3A_124 = tpu.memref_slice %arg14[%dma_wait3A_122, %dma_wait3A_123] : memref<400x32xf32, #tpu.memory_space<vmem>> -> memref<128x32xf32, #tpu.memory_space<vmem>>
        %dma_wait3A_125 = arith.constant 0 : i32
        %dma_wait3A_126 = arith.constant 0 : i32
        %dma_wait3A_127 = tpu.memref_slice %arg7[%arg0, %dma_wait3A_125, %dma_wait3A_126] : memref<2x51200x32xf32, #tpu.memory_space<hbm>> -> memref<1x51200x32xf32, #tpu.memory_space<hbm>>
        %dma_wait3A_128 = tpu.memref_squeeze %dma_wait3A_127 : memref<1x51200x32xf32, #tpu.memory_space<hbm>> -> memref<51200x32xf32, #tpu.memory_space<hbm>>
        %dma_wait3A_129 = arith.constant 0 : i32
        %dma_wait3A_130 = tpu.memref_slice %dma_wait3A_128[%add3A, %dma_wait3A_129] : memref<51200x32xf32, #tpu.memory_space<hbm>> -> memref<128x32xf32, #tpu.memory_space<hbm>>
        tpu.wait_dma2 semaphore(%run_scoped3A : memref<!tpu.dma_semaphore, #tpu.memory_space<semaphore_mem>>) src(%dma_wait3A_130 : memref<128x32xf32, #tpu.memory_space<hbm>>) dst(%dma_wait3A_124 : memref<128x32xf32, #tpu.memory_space<vmem>>)
        tpu.yield
      }) : () -> ()
      %scan3A_89 = arith.constant 0 : i32
      %scan3A_90 = arith.constant 0 : i32
      %scan3A_91 = arith.constant 128 : i32
      %scan3A_92 = arith.addi %scan3A_90, %scan3A_91 : i32
      %scan3A_93 = arith.constant 1 : i32
      %scan3A_94 = scf.for %scan3A_97 = %scan3A_90 to %scan3A_92 step %scan3A_93 iter_args(%scan3A_98 = %scan3A_89) -> (i32)  : i32 {
        %mul3A_99 = arith.constant 128 : i32
        %mul3A_100 = arith.muli %scan3A_85, %mul3A_99 : i32
        %add3A_101 = arith.addi %mul3A_100, %scan3A_97 : i32
        %broadcast_in_dim3A_102 = vector.broadcast %add3A_101 : i32 to vector<16xi32>
        %gather3A = tpu.vector_load_idx %arg15[%broadcast_in_dim3A_102] : memref<3200xf32, #tpu.memory_space<vmem>>[vector<16xi32>], vector<16xf32>,
        %get3A = arith.constant 0 : i32
        %get3A_103 = arith.constant 0 : i32
        %get3A_104 = tpu.memref_slice %arg14[%get3A, %get3A_103] : memref<400x32xf32, #tpu.memory_space<vmem>> -> memref<128x32xf32, #tpu.memory_space<vmem>>
        %get3A_105 = arith.index_cast %scan3A_97 : i32 to index
        %get3A_106 = arith.constant 0 : index
        %get3A_107 = tpu.vector_load %get3A_104[%get3A_105, %get3A_106] {strides = array<i32>} : memref<128x32xf32, #tpu.memory_space<vmem>>, vector<16xf32>,
        %get3A_108 = arith.constant 128 : i32
        %get3A_109 = arith.constant 0 : i32
        %get3A_110 = tpu.memref_slice %arg14[%get3A_108, %get3A_109] : memref<400x32xf32, #tpu.memory_space<vmem>> -> memref<128x32xf32, #tpu.memory_space<vmem>>
        %get3A_111 = arith.index_cast %scan3A_97 : i32 to index
        %get3A_112 = arith.constant 0 : index
        %get3A_113 = tpu.vector_load %get3A_110[%get3A_111, %get3A_112] {strides = array<i32>} : memref<128x32xf32, #tpu.memory_space<vmem>>, vector<16xf32>,
        %get3A_114 = arith.constant 256 : i32
        %get3A_115 = arith.constant 0 : i32
        %get3A_116 = tpu.memref_slice %arg14[%get3A_114, %get3A_115] : memref<400x32xf32, #tpu.memory_space<vmem>> -> memref<128x32xf32, #tpu.memory_space<vmem>>
        %get3A_117 = arith.index_cast %scan3A_97 : i32 to index
        %get3A_118 = arith.constant 0 : index
        %get3A_119 = tpu.vector_load %get3A_116[%get3A_117, %get3A_118] {strides = array<i32>} : memref<128x32xf32, #tpu.memory_space<vmem>>, vector<16xf32>,
        %add3A_120 = arith.addf %get3A_113, %get3A_119 : vector<16xf32>
        %mul3A_121 = arith.mulf %get3A_107, %gather3A : vector<16xf32>
        %add3A_122 = arith.addf %add3A_120, %mul3A_121 : vector<16xf32>
        %mul3A_123 = arith.constant 0.333333343 : f32
        %mul3A_124 = vector.broadcast %mul3A_123 : f32 to vector<16xf32>
        %mul3A_125 = arith.mulf %add3A_122, %mul3A_124 : vector<16xf32>
        %swap3A = arith.constant 0 : i32
        %swap3A_126 = arith.constant 0 : i32
        %swap3A_127 = tpu.memref_slice %arg14[%swap3A, %swap3A_126] : memref<400x32xf32, #tpu.memory_space<vmem>> -> memref<128x32xf32, #tpu.memory_space<vmem>>
        %swap3A_128 = arith.index_cast %scan3A_97 : i32 to index
        %swap3A_129 = arith.constant 0 : index
        %swap3A_130 = tpu.vector_load %swap3A_127[%swap3A_128, %swap3A_129] {strides = array<i32>} : memref<128x32xf32, #tpu.memory_space<vmem>>, vector<16xf32>,
        tpu.vector_store %swap3A_127[%swap3A_128, %swap3A_129], %mul3A_125 {strides = array<i32>} : memref<128x32xf32, #tpu.memory_space<vmem>>, vector<16xf32>,
        %get3A_131 = arith.constant 0 : i32
        %get3A_132 = arith.constant 0 : i32
        %get3A_133 = tpu.memref_slice %arg14[%get3A_131, %get3A_132] : memref<400x32xf32, #tpu.memory_space<vmem>> -> memref<128x32xf32, #tpu.memory_space<vmem>>
        %get3A_134 = arith.index_cast %scan3A_97 : i32 to index
        %get3A_135 = arith.constant 16 : index
        %get3A_136 = tpu.vector_load %get3A_133[%get3A_134, %get3A_135] {strides = array<i32>} : memref<128x32xf32, #tpu.memory_space<vmem>>, vector<16xf32>,
        %get3A_137 = arith.constant 128 : i32
        %get3A_138 = arith.constant 0 : i32
        %get3A_139 = tpu.memref_slice %arg14[%get3A_137, %get3A_138] : memref<400x32xf32, #tpu.memory_space<vmem>> -> memref<128x32xf32, #tpu.memory_space<vmem>>
        %get3A_140 = arith.index_cast %scan3A_97 : i32 to index
        %get3A_141 = arith.constant 16 : index
        %get3A_142 = tpu.vector_load %get3A_139[%get3A_140, %get3A_141] {strides = array<i32>} : memref<128x32xf32, #tpu.memory_space<vmem>>, vector<16xf32>,
        %get3A_143 = arith.constant 256 : i32
        %get3A_144 = arith.constant 0 : i32
        %get3A_145 = tpu.memref_slice %arg14[%get3A_143, %get3A_144] : memref<400x32xf32, #tpu.memory_space<vmem>> -> memref<128x32xf32, #tpu.memory_space<vmem>>
        %get3A_146 = arith.index_cast %scan3A_97 : i32 to index
        %get3A_147 = arith.constant 16 : index
        %get3A_148 = tpu.vector_load %get3A_145[%get3A_146, %get3A_147] {strides = array<i32>} : memref<128x32xf32, #tpu.memory_space<vmem>>, vector<16xf32>,
        %add3A_149 = arith.addf %get3A_142, %get3A_148 : vector<16xf32>
        %mul3A_150 = arith.mulf %get3A_136, %gather3A : vector<16xf32>
        %add3A_151 = arith.addf %add3A_149, %mul3A_150 : vector<16xf32>
        %mul3A_152 = arith.constant 0.333333343 : f32
        %mul3A_153 = vector.broadcast %mul3A_152 : f32 to vector<16xf32>
        %mul3A_154 = arith.mulf %add3A_151, %mul3A_153 : vector<16xf32>
        %swap3A_155 = arith.constant 0 : i32
        %swap3A_156 = arith.constant 0 : i32
        %swap3A_157 = tpu.memref_slice %arg14[%swap3A_155, %swap3A_156] : memref<400x32xf32, #tpu.memory_space<vmem>> -> memref<128x32xf32, #tpu.memory_space<vmem>>
        %swap3A_158 = arith.index_cast %scan3A_97 : i32 to index
        %swap3A_159 = arith.constant 16 : index
        %swap3A_160 = tpu.vector_load %swap3A_157[%swap3A_158, %swap3A_159] {strides = array<i32>} : memref<128x32xf32, #tpu.memory_space<vmem>>, vector<16xf32>,
        tpu.vector_store %swap3A_157[%swap3A_158, %swap3A_159], %mul3A_154 {strides = array<i32>} : memref<128x32xf32, #tpu.memory_space<vmem>>, vector<16xf32>,
        %scan3A_161 = arith.constant 0 : i32
        scf.yield %scan3A_161 : i32
      }
      %scan3A_95 = arith.constant 128 : i32
      "tpu.region"() ({
        %run_scoped3A = tpu.sem_alloc : memref<!tpu.dma_semaphore, #tpu.memory_space<semaphore_mem>>
        %dma_start3A = arith.constant 0 : i32
        %dma_start3A_97 = arith.constant 0 : i32
        %dma_start3A_98 = tpu.memref_slice %arg14[%dma_start3A, %dma_start3A_97] : memref<400x32xf32, #tpu.memory_space<vmem>> -> memref<128x32xf32, #tpu.memory_space<vmem>>
        %dma_start3A_99 = arith.constant 0 : i32
        %dma_start3A_100 = arith.constant 0 : i32
        %dma_start3A_101 = tpu.memref_slice %arg5[%arg0, %dma_start3A_99, %dma_start3A_100] : memref<2x51200x32xf32, #tpu.memory_space<hbm>> -> memref<1x51200x32xf32, #tpu.memory_space<hbm>>
        %dma_start3A_102 = tpu.memref_squeeze %dma_start3A_101 : memref<1x51200x32xf32, #tpu.memory_space<hbm>> -> memref<51200x32xf32, #tpu.memory_space<hbm>>
        %dma_start3A_103 = arith.constant 0 : i32
        %dma_start3A_104 = tpu.memref_slice %dma_start3A_102[%add3A, %dma_start3A_103] : memref<51200x32xf32, #tpu.memory_space<hbm>> -> memref<128x32xf32, #tpu.memory_space<hbm>>
        %dma_start3A_105 = arith.constant 0 : i32
        %dma_start3A_106 = arith.constant 0 : i32
        %dma_start3A_107 = tpu.memref_slice %arg5[%arg0, %dma_start3A_105, %dma_start3A_106] : memref<2x51200x32xf32, #tpu.memory_space<hbm>> -> memref<1x51200x32xf32, #tpu.memory_space<hbm>>
        %dma_start3A_108 = tpu.memref_squeeze %dma_start3A_107 : memref<1x51200x32xf32, #tpu.memory_space<hbm>> -> memref<51200x32xf32, #tpu.memory_space<hbm>>
        %dma_start3A_109 = arith.constant 0 : i32
        %dma_start3A_110 = tpu.memref_slice %dma_start3A_108[%add3A, %dma_start3A_109] : memref<51200x32xf32, #tpu.memory_space<hbm>> -> memref<128x32xf32, #tpu.memory_space<hbm>>
        %dma_start3A_111 = arith.constant 0 : i32
        %dma_start3A_112 = arith.constant 0 : i32
        %dma_start3A_113 = tpu.memref_slice %arg14[%dma_start3A_111, %dma_start3A_112] : memref<400x32xf32, #tpu.memory_space<vmem>> -> memref<128x32xf32, #tpu.memory_space<vmem>>
        tpu.enqueue_dma source(%dma_start3A_113 : memref<128x32xf32, #tpu.memory_space<vmem>>) target(%dma_start3A_110 : memref<128x32xf32, #tpu.memory_space<hbm>>) target_semaphore(%run_scoped3A : memref<!tpu.dma_semaphore, #tpu.memory_space<semaphore_mem>>)
        %dma_wait3A = arith.constant 0 : i32
        %dma_wait3A_114 = arith.constant 0 : i32
        %dma_wait3A_115 = tpu.memref_slice %arg14[%dma_wait3A, %dma_wait3A_114] : memref<400x32xf32, #tpu.memory_space<vmem>> -> memref<128x32xf32, #tpu.memory_space<vmem>>
        %dma_wait3A_116 = arith.constant 0 : i32
        %dma_wait3A_117 = arith.constant 0 : i32
        %dma_wait3A_118 = tpu.memref_slice %arg5[%arg0, %dma_wait3A_116, %dma_wait3A_117] : memref<2x51200x32xf32, #tpu.memory_space<hbm>> -> memref<1x51200x32xf32, #tpu.memory_space<hbm>>
        %dma_wait3A_119 = tpu.memref_squeeze %dma_wait3A_118 : memref<1x51200x32xf32, #tpu.memory_space<hbm>> -> memref<51200x32xf32, #tpu.memory_space<hbm>>
        %dma_wait3A_120 = arith.constant 0 : i32
        %dma_wait3A_121 = tpu.memref_slice %dma_wait3A_119[%add3A, %dma_wait3A_120] : memref<51200x32xf32, #tpu.memory_space<hbm>> -> memref<128x32xf32, #tpu.memory_space<hbm>>
        %dma_wait3A_122 = arith.constant 0 : i32
        %dma_wait3A_123 = arith.constant 0 : i32
        %dma_wait3A_124 = tpu.memref_slice %arg5[%arg0, %dma_wait3A_122, %dma_wait3A_123] : memref<2x51200x32xf32, #tpu.memory_space<hbm>> -> memref<1x51200x32xf32, #tpu.memory_space<hbm>>
        %dma_wait3A_125 = tpu.memref_squeeze %dma_wait3A_124 : memref<1x51200x32xf32, #tpu.memory_space<hbm>> -> memref<51200x32xf32, #tpu.memory_space<hbm>>
        %dma_wait3A_126 = arith.constant 0 : i32
        %dma_wait3A_127 = tpu.memref_slice %dma_wait3A_125[%add3A, %dma_wait3A_126] : memref<51200x32xf32, #tpu.memory_space<hbm>> -> memref<128x32xf32, #tpu.memory_space<hbm>>
        %dma_wait3A_128 = arith.constant 0 : i32
        %dma_wait3A_129 = arith.constant 0 : i32
        %dma_wait3A_130 = tpu.memref_slice %arg14[%dma_wait3A_128, %dma_wait3A_129] : memref<400x32xf32, #tpu.memory_space<vmem>> -> memref<128x32xf32, #tpu.memory_space<vmem>>
        tpu.wait_dma2 semaphore(%run_scoped3A : memref<!tpu.dma_semaphore, #tpu.memory_space<semaphore_mem>>) src(%dma_wait3A_130 : memref<128x32xf32, #tpu.memory_space<vmem>>) dst(%dma_wait3A_127 : memref<128x32xf32, #tpu.memory_space<hbm>>)
        tpu.yield
      }) : () -> ()
      %scan3A_96 = arith.constant 0 : i32
      scf.yield %scan3A_96 : i32
    }
    %scan3A_84 = arith.constant 25 : i32
    "tpu.trace_stop"() : () -> ()
    return
  }
}

</mosaic_0001>

<sc_bundles>
// kernel: kernel.3.cloned.1.call-start
scs
__scs_entry_jumppad:
0x0: {  	(pc) =	sbr.rel $0x88, $3  }
0x1: {  	(tag) =	ssettag $0x0;
	lr =	simm.s32 $0x1  }
0x2: {  	[smem:$0x3F9F] =	sst lr;
	_ =	strace $0xD0000000  }
0x3: {  	_ = 	snop  }
0x4: {  	_ = 	snop  }
0x5: {  	_ = 	snop  }
0x6: {  	_ = 	snop  }
0x7: {  	_ = 	snop  }
__scs_overlays_trampoline_lowered:
0x8: {  	[smem:$0x3FAE] =	sst s0  }
0x9: {  	[smem:$0x3FAF] =	sst s1  }
0xa: {  	[smem:$0x3FB0] =	sst s2  }
0xb: {  	[smem:$0x3FB1] =	sst s3  }
0xc: {  	[smem:$0x3FB2] =	sst s4  }
0xd: {  	[smem:$0x3FB3] =	sst s5  }
0xe: {  	[smem:$0x3FB4] =	sst s6  }
0xf: {  	[smem:$0x3FB5] =	sst s7  }
0x10: {  	[smem:$0x3FB6] =	sst s8  }
0x11: {  	[smem:$0x3FB7] =	sst s9;
	s0 =	simm.s32 @!p0 $0x0  }
0x12: {  	s1 =	sld [smem:$0x3F9D];
	s0 =	simm.s32 @p0 $0x1  }
0x13: {  	[smem:$0x3FB8] =	sst s0;
	s0 =	simm.s32 @!p1 $0x0  }
0x14: {  	s2 =	sld [smem:$0x3F9C];
	s0 =	simm.s32 @p1 $0x1  }
0x15: {  	[smem:$0x3FB9] =	sst s0;
	s0 =	simm.s32 @!p2 $0x0  }
0x16: {  	s3 =	sld [smem:$0x3FDB];
	s0 =	simm.s32 @p2 $0x1  }
0x17: {  	s4 =	simm.s32 $0x1BF5;
	[smem:$0x3FBB] =	sst s0  }
0x18: {  	s0 =	sld [smem:$0x3F9E];
	_ =	swait.ge [sflag:s4], $0x0  }
0x19: {  	s7 =	sld [smem:$0x3F9F]  }
0x1a: {  	s8 =	sadd.s32 $0xFFFFE003, lr  }
0x1b: {  	s9 =	sadd.s32 $0xFFFFFEF7, lr;
	s5 =	simm.s32 $0xFFFFFFFF;
	p2 =	slt.u32 s8, $0xFFFFF086  }
0x1c: {  	p1 =	slt.u32 s9, $0xF7A;
	s5 =	simm.s32 @!p2 $0x0  }
0x1d: {  	s5 =	simm.s32 @p1 $0x1;
	p0 =	seq.s32 s7, s2  }
0x1e: {  	s7 =	smul.u32 @!p0 $0xF7A, s2;
	p2 =	seq.s32 @!p0 s5, $0x0  }
0x1f: {  	s9 =	smul.u32 $0xF7A, s1;
	s8 =	simm.s32 @!p0 $0x1BF5;
	p2 =	por !p2, p0  }
0x20: {  	[sflag:s8] =	ssyncset.s32 @!p0 $0xFFFFF086;
	s6 =	sadd.s32 @!p0 s3, s7;
	s7 =	simm.s32 @!p0 $0x108  }
0x21: {  	s3 =	sadd.s32 s3, s9;
	s6 =	sadd.s32 @!p0 $0x88, s6;
	s7 =	simm.s32 @p2 $0x1082  }
0x22: {  	[simem:s7], [sflag:s8] =	dma.local @!p0 [hbm:s6], $0xF7A  }
0x23: {  	s9 =	sor.u32 $0xD0000000, s2;
	s6 =	simm.s32 $0x108;
	_ =	swait.ge @!p0 [sflag:s8], $0x0  }
0x24: {  	s3 =	sadd.s32 $0x88, s3;
	s6 =	simm.s32 @!p1 $0x1082;
	[sflag:s4] =	ssyncset.s32 $0xFFFFF086  }
0x25: {  	[simem:s6], [sflag:s4] =	dma.local [hbm:s3], $0xF7A  }
0x26: {  	[smem:$0x3F9F] =	sst s1;
	(tag) =	ssettag s2;
	_ =	strace s9  }
0x27: {  	s1 =	sld [smem:$0x3FAF]  }
0x28: {  	s2 =	sld [smem:$0x3FB0]  }
0x29: {  	s4 =	sld [smem:$0x3FB2]  }
0x2a: {  	p0 =	seq.s32 s5, $0x0;
	s5 =	sld [smem:$0x3FB3]  }
0x2b: {  	s6 =	sld [smem:$0x3FB4]  }
0x2c: {  	s7 =	sld [smem:$0x3FB5]  }
0x2d: {  	s3 =	simm.s32 $0x108;
	s8 =	sld [smem:$0x3FB6]  }
0x2e: {  	s3 =	simm.s32 @!p0 $0x1082;
	s9 =	sld [smem:$0x3FB7]  }
0x2f: {  	lr =	sadd.s32 s0, s3;
	s0 =	sld [smem:$0x3FAE]  }
0x30: {  	s3 =	sld [smem:$0x3FB1]  }
0x31: {  	[smem:$0x3FBA] =	sst s10  }
0x32: {  	s10 =	sld [smem:$0x3FB8];
	_ =	sdelay $0x3  }
0x33: {  	p0 =	seq.s32 s10, $0x1;
	s10 =	sld [smem:$0x3FBA];
	_ =	sdelay $0x3  }
0x34: {  	[smem:$0x3FBA] =	sst s10  }
0x35: {  	s10 =	sld [smem:$0x3FB9];
	_ =	sdelay $0x3  }
0x36: {  	p1 =	seq.s32 s10, $0x1;
	s10 =	sld [smem:$0x3FBA];
	_ =	sdelay $0x3  }
0x37: {  	[smem:$0x3FBA] =	sst s10  }
0x38: {  	s10 =	sld [smem:$0x3FBB]  }
0x39: {  	_ = 	snop;
	(pc) =	sbr.ind lr, $3  }
0x3a: {  	_ = 	snop  }
0x3b: {  	_ = 	snop  }
0x3c: {  	p2 =	seq.s32 s10, $0x1;
	s10 =	sld [smem:$0x3FBA]  }
0x3d: {  	_ =	shalt  }
0x3e: {  	_ =	shalt  }
0x3f: {  	_ =	shalt  }
0x40: {  	_ =	shalt  }
0x41: {  	_ =	shalt  }
0x42: {  	_ =	shalt  }
0x43: {  	_ =	shalt  }
0x44: {  	_ =	shalt  }
0x45: {  	_ =	shalt  }
0x46: {  	_ =	shalt  }
0x47: {  	_ =	shalt  }
0x48: {  	_ =	shalt  }
0x49: {  	_ =	shalt  }
0x4a: {  	_ =	shalt  }
0x4b: {  	_ =	shalt  }
0x4c: {  	_ =	shalt  }
0x4d: {  	_ =	shalt  }
0x4e: {  	_ =	shalt  }
0x4f: {  	_ =	shalt  }
0x50: {  	_ =	shalt  }
0x51: {  	_ =	shalt  }
0x52: {  	_ =	shalt  }
0x53: {  	_ =	shalt  }
0x54: {  	_ =	shalt  }
0x55: {  	_ =	shalt  }
0x56: {  	_ =	shalt  }
0x57: {  	_ =	shalt  }
0x58: {  	_ =	shalt  }
0x59: {  	_ =	shalt  }
0x5a: {  	_ =	shalt  }
0x5b: {  	_ =	shalt  }
0x5c: {  	_ =	shalt  }
0x5d: {  	_ =	shalt  }
0x5e: {  	_ =	shalt  }
0x5f: {  	_ =	shalt  }
0x60: {  	_ =	shalt  }
0x61: {  	_ =	shalt  }
0x62: {  	_ =	shalt  }
0x63: {  	_ =	shalt  }
0x64: {  	_ =	shalt  }
0x65: {  	_ =	shalt  }
0x66: {  	_ =	shalt  }
0x67: {  	_ =	shalt  }
0x68: {  	_ =	shalt  }
0x69: {  	_ =	shalt  }
0x6a: {  	_ =	shalt  }
0x6b: {  	_ =	shalt  }
0x6c: {  	_ =	shalt  }
0x6d: {  	_ =	shalt  }
0x6e: {  	_ =	shalt  }
0x6f: {  	_ =	shalt  }
0x70: {  	_ =	shalt  }
0x71: {  	_ =	shalt  }
0x72: {  	_ =	shalt  }
0x73: {  	_ =	shalt  }
0x74: {  	_ =	shalt  }
0x75: {  	_ =	shalt  }
0x76: {  	_ =	shalt  }
0x77: {  	_ =	shalt  }
0x78: {  	_ =	shalt  }
0x79: {  	_ =	shalt  }
0x7a: {  	_ =	shalt  }
0x7b: {  	_ =	shalt  }
0x7c: {  	_ =	shalt  }
0x7d: {  	_ =	shalt  }
0x7e: {  	_ =	shalt  }
0x7f: {  	_ =	shalt  }
0x80: {  	_ =	shalt  }
0x81: {  	_ =	shalt  }
0x82: {  	_ =	shalt  }
0x83: {  	_ =	shalt  }
0x84: {  	_ =	shalt  }
0x85: {  	_ =	shalt  }
0x86: {  	_ =	shalt  }
0x87: {  	_ =	shalt  }
.Lfunc_end0:
.L_simem_size_0:
called_computation_lowered:
.L_overlay_start_0:
0x88: {  	s2 =	sld [smem:$0x3FD9]  }
0x89: {  	s3 =	sld [smem:$0x3FFE];
	_ =	sdelay $0x1  }
0x8a: {  	s1 =	srdreg.scid  }
0x8b: {  	s0 =	sand.u32 $0x1, s1  }
0x8c: {  	s17 =	sshll.u32 s0, $0xA;
	s2 =	sadd.s32 s3, s2  }
0x8d: {  	s2 =	sadd.s32 s2, s17  }
0x8e: {  	[smem:$0x3FC6] =	sst s2  }
0x8f: {  	_ = 	snop  }
0x90: {  	s2 =	sld [smem:$0x3FD0];
	(tm) =	ssettm $0x1  }
0x91: {  	s18 =	sld [smem:$0x3FFB];
	_ =	sdelay $0x3  }
0x92: {  	_ =	strace s18  }
0x93: {  	s3 =	sld [smem:$0x3FFC];
	_ =	sdelay $0x3  }
0x94: {  	_ =	strace s3  }
0x95: {  	s3 =	sld [smem:$0x3FFD];
	_ =	sdelay $0x3  }
0x96: {  	_ =	strace s3  }
0x97: {  	_ =	strace $0x8FFFFFFF  }
0x98: {  	s19 =	sld [smem:$0x3FDB];
	_ =	sdelay $0x1  }
0x99: {  	s4 =	simm.s32 $_scs_section_size  }
0x9a: {  	s5 =	simm.s32 $_size__tile_overlayer_lowered;
	s6 =	simm.s32 $_tile_overlayer_lowered  }
0x9b: {  	s22 =	simm.s32 $0x1BFF;
	s21 =	sshll.u32 s6, $0x1;
	s3 =	sadd.s32 s4, s19  }
0x9c: {  	s7 =	simm.s32 $0x0;
	s20 =	sshll.u32 s5, $0x1;
	s5 =	sadd.s32 s21, s3  }
0x9d: {  	[timem:s7], [sflag:s22] =	dma.local [hbm:s5], s20  }
0x9e: {  	_ =	swait.ge [sflag:s22], s20  }
0x9f: {  	s4 =	ssub.s32 $0x0, s20;
	[sflag:s22] =	ssyncset.done $0x0  }
0xa0: {  	[sflag:s22] =	ssyncadd.s32 s4;
	_ =	sdelay $0x1  }
0xa1: {  	s23 =	simm.s32 $0x1B8B  }
0xa2: {  	_ =	swait.ge [sflag:s23], $0x1  }
0xa3: {  	[sflag:s23] =	ssyncset.done $0x0  }
0xa4: {  	s25 =	simm.s32 $0x1B8E;
	s24 =	sld [smem:$0x3FFE];
	[sflag:s23] =	ssyncadd.s32 $0xFFFFFFFF  }
0xa5: {  	s26 =	simm.s32 $execute0_lowered;
	[smem:$0x3FD2] =	sst s25  }
0xa6: {  	s5 =	sshll.u32 s26, $0x1;
	_ =	strace $0x80000046;
	[dreg:$0x1] =	wrdreg $0xFFFFFFFF  }
0xa7: {  	s28 =	simm.s32 $_size_execute0_lowered;
	s3 =	sadd.s32 s3, s5;
	[dreg:$0x0] =	wrdreg $0x0  }
0xa8: {  	s5 =	sshll.u32 s28, $0x1;
	[dreg:$0x2] =	wrdreg s3  }
0xa9: {  	[dreg:$0x3] =	wrdreg s5  }
0xaa: {  	[dreg:$0x4] =	wrdreg $0xC0  }
0xab: {  	_ =	task [dreg:s7], $0x5FFFF  }
0xac: {  	[dreg:$0x1] =	wrdreg $0xFFFFFFFF  }
0xad: {  	[dreg:$0x0] =	wrdreg $0x60  }
0xae: {  	[dreg:$0x2] =	wrdreg s24  }
0xaf: {  	[dreg:$0x3] =	wrdreg s2  }
0xb0: {  	[dreg:$0x4] =	wrdreg $0x0  }
0xb1: {  	[dreg:$0x5] =	wrdreg $0x190000  }
0xb2: {  	[dreg:$0x6] =	wrdreg $0x9  }
0xb3: {  	_ =	task.clear_ibuf [dreg:s7], $0x7FFFF;
	_ =	strace $0x90000046  }
0xb4: {  	s29 =	simm.s32 $0x9;
	_ =	strace $0x80000050  }
0xb5: {  	_ =	swait.ge [sflag:s29], $0x1  }
0xb6: {  	[sflag:s29] =	ssyncadd.s32 $0xFFFFFFFF  }
0xb7: {  	_ =	strace $0x90000050  }
0xb8: {  	_ =	sfence  }
0xb9: {  	s30 =	sld [smem:$0x0];
	_ =	sdelay $0x2  }
0xba: {  	s31 =	sshll.u32 s1, $0xD;
	s1 =	sshrl.u32 s1, $0x2  }
0xbb: {  	s3 =	sand.u32 $0x4000, s31;
	s1 =	sadd.s32 s1, s30  }
0xbc: {  	s0 =	sor.u32 s3, s0;
	s1 =	sshll.u32 s1, $0x11  }
0xbd: {  	s0 =	sor.u32 s1, s0  }
0xbe: {  	s0 =	sadd.s32 $0x8F2B, s0  }
0xbf: {  	[sflag:s0] =	ssyncadd.remote.s32 $0x1  }
0xc0: {  	_ =	sfence.sel $0xFFFF  }
0xc1: {  	[dreg:$0x0] =	wrdreg $0xFFFFFFFF;
	(pc) =	sbr.abs _section_cstart, $3  }
0xc2: {  	[dreg:$0x1] =	wrdreg $0xFFFFFFFF  }
0xc3: {  	_ =	task.clear_ibuf [dreg:s7], $0x2FFFF;
	_ =	strace $0x9FFFFFFF  }
0xc4: {  	(tm) =	ssettm $0x7FFFFFFF  }
0xc5: {  	_ =	shalt  }
tec
execute0_lowered:
.L_overlay_start_1:
0x0: {  	(tag) =	ssettag $0x1  }
0x1: {  	s0 =	rddreg [dreg:$0x0]  }
0x2: {  	s1 =	rddreg [dreg:$0x1]  }
0x3: {  	s2 =	rddreg [dreg:$0x2]  }
0x4: {  	s3 =	rddreg [dreg:$0x3]  }
0x5: {  	s11 =	stileid.u32;
	s5 =	srdreg.scid;
	s4 =	simm.s32 $0x0  }
0x6: {  	s16 =	simm.s32 $0x1E5F0;
	s17 =	simm.s32 $0x3;
	s18 =	simm.s32 $0x1D970  }
0x7: {  	s19 =	simm.s32 $0x19FA0;
	s20 =	simm.s32 $0x7D0;
	s21 =	simm.s32 $0x1A770  }
0x8: {  	s22 =	simm.s32 $0x1B770;
	s23 =	simm.s32 $0x19C80;
	s24 =	simm.s32 $0x19E10  }
0x9: {  	s25 =	simm.s32 $0x190;
	s26 =	simm.s32 $0x1;
	s7 =	smul.u32 $0x186A, s11  }
0xa: {  	s5 =	sand.u32 $0x1, s5;
	[smem:$0x7FF] =	sst s4;
	s9 =	smul.u32 $0x64000, s11  }
0xb: {  	s28 =	simm.s32 $0x2;
	s6 =	smul.u32 $0x32000, s5;
	_ =	strace $0x80000047  }
0xc: {  	s8 =	ssub.s32 $0x2, s5;
	s5 =	smul.u32 $0xC80, s11;
	s12 =	sadd.s32 s7, s0  }
0xd: {  	s10 =	sshrl.u32 s8, $0x1;
	s30 =	sshrl.u32 s9, $0x2;
	s14 =	sadd.s32 s7, s1  }
0xe: {  	s0 =	sadd.s32 s6, s0;
	s13 =	ssub.s32 s8, s10;
	s29 =	sadd.s32 s5, s3  }
0xf: {  	s8 =	sadd.s32 $0x1A8C00, s0;
	s9 =	sadd.s32 $0x18C00, s0;
	s10 =	sadd.s32 $0x7CC00, s0  }
0x10: {  	s11 =	sadd.s32 $0xE0C00, s0;
	s0 =	sadd.s32 $0x144C00, s0;
	[dreg:$0x5] =	wrdreg s29  }
0x11: {  	s1 =	simm.s32 $0x0;
	s31 =	smax.u32 s13, $0x1;
	[dreg:$0x6] =	wrdreg s0  }
0x12: {  	v0 =	vimm.f32 $0.0e+00;
	v1 =	vimm.f32 $1.000000000e+00;
	s6 =	sadd.s32 s30, s2;
	s15 =	sadd.s32 $0x400, s12;
	[dreg:$0x7] =	wrdreg s31  }
.LBB2_1:
0x13: {  	[dreg:$0x8] =	wrdreg s1;
	s0 =	simm.s32 $0x0  }
.LBB2_2:
0x14: {  	p0 =	sne.s32 s0, $0x3F80  }
.Ltmp0:
0x15: {  	_ = 	snop;
	(pc) =	sbr.rel @p0 .LBB2_2-.Ltmp0, $4  }
0x16: {  	_ = 	snop  }
0x17: {  	s1 =	sshra.s32 s0, $0x2  }
0x18: {  	[tilespmem:s1+$0x1E5F0] =	vst v0  }
0x19: {  	s0 =	sadd.s32 $0x80, s0;
	[tilespmem:s1+$0x1E600] =	vst v0  }
0x1a: {  	s0 =	simm.s32 $0x40;
	s1 =	simm.s32 $0x0  }
.LBB2_4:
0x1b: {  	p0 =	sne.s32 s0, $0x31C0;
	[tilespmem:s1+$0x1D970] =	vst v0;
	s1 =	smov.u32 s0;
	s0 =	sadd.s32 $0x40, s0  }
.Ltmp1:
0x1c: {  	(pc) =	sbr.rel @p0 .LBB2_4-.Ltmp1, $2  }
0x1d: {  	_ =	sdelay $0x2  }
0x1e: {  	s1 =	sshra.s32 s1, $0x2  }
0x1f: {  	[tilespmem:s1+$0x1D970] =	vst v0  }
0x20: {  	s0 =	sadd.s32 $0x0, s6;
	_ =	strace $0x80000048  }
0x21: {  	[spmem:s0] =	stream.linear.scatter [tilespmem:s16], [sflag:$0x3], $0x1000, $0x200038;
	[tilespmem:$0x1F5F0] =	vst v63  }
0x22: {  	s0 =	simm.s32 $0x4000;
	_ =	swait.ge [sflag:s17], $0x1000  }
.LBB2_6:
0x23: {  	s1 =	sshra.s32 s0, $0x2;
	[sflag:s17] =	ssyncset.done $0x0;
	p0 =	sne.s32 s0, $0x60000  }
.Ltmp2:
0x24: {  	s1 =	sadd.s32 s1, s6;
	[sflag:s17] =	ssyncadd.s32 $0xFFFFF000;
	(pc) =	sbr.rel @p0 .LBB2_6-.Ltmp2, $3  }
0x25: {  	[spmem:s1] =	stream.linear.scatter [tilespmem:s16], [sflag:$0x3], $0x1000, $0x200038;
	[tilespmem:$0x1F5F0] =	vst v63  }
0x26: {  	s0 =	sadd.s32 $0x4000, s0;
	_ =	sdelay $0x1  }
0x27: {  	_ =	swait.ge [sflag:s17], $0x1000  }
0x28: {  	[sflag:s17] =	ssyncset.done $0x0  }
0x29: {  	[sflag:s17] =	ssyncadd.s32 $0xFFFFF000  }
0x2a: {  	[spmem:s29] =	stream.linear.scatter [tilespmem:s18], [sflag:$0x3], $0xC80, $0x200038;
	[tilespmem:$0x1F5F0] =	vst v63  }
0x2b: {  	_ =	swait.ge [sflag:s17], $0xC80  }
0x2c: {  	[sflag:s17] =	ssyncset.done $0x0  }
0x2d: {  	[sflag:s17] =	ssyncadd.s32 $0xFFFFF380  }
0x2e: {  	[bflag:$0x0] =	sbarrier.arrive $0xFFFF  }
0x2f: {  	s0 =	simm.s32 $0x40;
	s1 =	simm.s32 $0x0;
	_ =	strace $0x90000048  }
.LBB2_8:
0x30: {  	p0 =	sne.s32 s0, $0x1F00;
	[tilespmem:s1+$0x1D970] =	vst v1;
	s1 =	smov.u32 s0;
	s0 =	sadd.s32 $0x40, s0  }
.Ltmp3:
0x31: {  	(pc) =	sbr.rel @p0 .LBB2_8-.Ltmp3, $2  }
0x32: {  	_ =	sdelay $0x2  }
0x33: {  	s1 =	sshra.s32 s1, $0x2  }
0x34: {  	[tilespmem:s1+$0x1D970] =	vst v1  }
0x35: {  	s0 =	sadd.s32 $0x0, s14;
	_ =	strace $0x80000049  }
0x36: {  	[tilespmem:s19], [sflag:$0x3] =	stream.linear.gather [hbm4b:s0+s4], $0x7D0, $0x200038;
	[tilespmem:$0x1F5F0] =	vst v63  }
0x37: {  	_ =	swait.ge [sflag:s17], $0x7D0  }
0x38: {  	[sflag:s17] =	ssyncset.done $0x0  }
0x39: {  	[sflag:s17] =	ssyncadd.s32 $0xFFFFF830  }
0x3a: {  	[spmem:s3] =	stream.indirect.scatter.add.f32 [tilespmem:s18], [sflag:$0x3], $0x1, s19, s20, $0x2000b8;
	[tilespmem:$0x1F5F0] =	vst v63  }
0x3b: {  	_ =	swait.ge [sflag:s17], $0x7D0  }
0x3c: {  	s1 =	simm.s32 $0x1F4;
	s0 =	simm.s32 $0xFA;
	[sflag:s17] =	ssyncset.done $0x0  }
.LBB2_10:
0x3d: {  	s7 =	sadd.s32 s0, s14  }
0x3e: {  	[sflag:s17] =	ssyncadd.s32 $0xFFFFF830;
	s0 =	smov.u32 s1;
	s12 =	sadd.s32 $0xFA, s1  }
0x3f: {  	[tilespmem:s19], [sflag:$0x3] =	stream.linear.gather [hbm4b:s7+s4], $0x7D0, $0x200038;
	[tilespmem:$0x1F5F0] =	vst v63  }
0x40: {  	p0 =	sne.s32 s1, $0x1770;
	_ =	swait.ge [sflag:s17], $0x7D0  }
.Ltmp4:
0x41: {  	[sflag:s17] =	ssyncset.done $0x0;
	(pc) =	sbr.rel @p0 .LBB2_10-.Ltmp4, $4  }
0x42: {  	[sflag:s17] =	ssyncadd.s32 $0xFFFFF830  }
0x43: {  	[spmem:s3] =	stream.indirect.scatter.add.f32 [tilespmem:s18], [sflag:$0x3], $0x1, s19, s20, $0x2000b8;
	[tilespmem:$0x1F5F0] =	vst v63  }
0x44: {  	_ =	swait.ge [sflag:s17], $0x7D0  }
0x45: {  	s1 =	smov.u32 s12;
	[sflag:s17] =	ssyncset.done $0x0  }
0x46: {  	s0 =	sadd.s32 s0, s14;
	[sflag:s17] =	ssyncadd.s32 $0xFFFFF830  }
0x47: {  	[tilespmem:s19], [sflag:$0x3] =	stream.linear.gather [hbm4b:s0+s4], $0x7D0, $0x200038;
	[tilespmem:$0x1F5F0] =	vst v63  }
0x48: {  	_ =	swait.ge [sflag:s17], $0x7D0  }
0x49: {  	[sflag:s17] =	ssyncset.done $0x0  }
0x4a: {  	[sflag:s17] =	ssyncadd.s32 $0xFFFFF830  }
0x4b: {  	[spmem:s3] =	stream.indirect.scatter.add.f32 [tilespmem:s18], [sflag:$0x3], $0x1, s19, s20, $0x2000b8;
	[tilespmem:$0x1F5F0] =	vst v63  }
0x4c: {  	_ =	swait.ge [sflag:s17], $0x7D0  }
0x4d: {  	[sflag:s17] =	ssyncset.done $0x0  }
0x4e: {  	[sflag:s17] =	ssyncadd.s32 $0xFFFFF830  }
0x4f: {  	[bflag:$0x0] =	sbarrier.arrive $0xFFFF  }
0x50: {  	_ =	strace $0x90000049  }
0x51: {  	_ =	strace $0x8000004A  }
0x52: {  	[tilespmem:s18], [sflag:$0x3] =	stream.linear.gather [spmem:s29], $0xC80, $0x200038;
	[tilespmem:$0x1F5F0] =	vst v63  }
0x53: {  	_ =	swait.ge [sflag:s17], $0xC80  }
0x54: {  	[sflag:s17] =	ssyncset.done $0x0  }
0x55: {  	s1 =	simm.s32 $0x40;
	s0 =	simm.s32 $0x0;
	[sflag:s17] =	ssyncadd.s32 $0xFFFFF380  }
.LBB2_12:
0x56: {  	p0 =	sne.s32 s1, $0x31C0;
	v2 =	vld [tilespmem:s0+$0x1D970];
	_ =	sdelay $0x4  }
0x57: {  	v3 =	vshra.s32 v2, $0x1;
	v4 =	vmul.f32 $5.000000000e-01, v2  }
0x58: {  	v3 =	vsub.s32 $0x5F3759DF, v3  }
0x59: {  	v5 =	vmul.f32 v3, v4;
	_ =	sdelay $0x1  }
0x5a: {  	v5 =	vmul.f32 v3, v5;
	_ =	sdelay $0x1  }
0x5b: {  	v5 =	vsub.f32 $1.500000000e+00, v5;
	_ =	sdelay $0x1  }
0x5c: {  	v3 =	vmul.f32 v3, v5;
	_ =	sdelay $0x1  }
0x5d: {  	v5 =	vmul.f32 v3, v4;
	_ =	sdelay $0x1  }
0x5e: {  	v5 =	vmul.f32 v5, v3;
	_ =	sdelay $0x1  }
0x5f: {  	v5 =	vsub.f32 $1.500000000e+00, v5;
	_ =	sdelay $0x1  }
0x60: {  	v3 =	vmul.f32 v5, v3;
	_ =	sdelay $0x1  }
0x61: {  	v4 =	vmul.f32 v3, v4;
	_ =	sdelay $0x1  }
0x62: {  	v4 =	vmul.f32 v4, v3;
	_ =	sdelay $0x1  }
0x63: {  	v4 =	vsub.f32 $1.500000000e+00, v4  }
.Ltmp5:
0x64: {  	(pc) =	sbr.rel @p0 .LBB2_12-.Ltmp5, $4  }
0x65: {  	v3 =	vmul.f32 v4, v3  }
0x66: {  	vm0 =	vgt.f32 v2, $0.0e+00  }
0x67: {  	v2 =	vnsel vm0, $0x0, v3  }
0x68: {  	[tilespmem:s0+$0x1D970] =	vst v2;
	s0 =	sshra.s32 s1, $0x2;
	s1 =	sadd.s32 $0x40, s1  }
0x69: {  	v2 =	vld [tilespmem:s0+$0x1D970];
	_ =	sdelay $0x4  }
0x6a: {  	v3 =	vshra.s32 v2, $0x1;
	v4 =	vmul.f32 $5.000000000e-01, v2  }
0x6b: {  	v3 =	vsub.s32 $0x5F3759DF, v3  }
0x6c: {  	v5 =	vmul.f32 v3, v4;
	_ =	sdelay $0x1  }
0x6d: {  	v5 =	vmul.f32 v3, v5;
	_ =	sdelay $0x1  }
0x6e: {  	v5 =	vsub.f32 $1.500000000e+00, v5;
	_ =	sdelay $0x1  }
0x6f: {  	v3 =	vmul.f32 v3, v5;
	_ =	sdelay $0x1  }
0x70: {  	v5 =	vmul.f32 v3, v4;
	_ =	sdelay $0x1  }
0x71: {  	v5 =	vmul.f32 v5, v3;
	_ =	sdelay $0x1  }
0x72: {  	v5 =	vsub.f32 $1.500000000e+00, v5;
	_ =	sdelay $0x1  }
0x73: {  	v3 =	vmul.f32 v5, v3;
	_ =	sdelay $0x1  }
0x74: {  	v4 =	vmul.f32 v3, v4;
	_ =	sdelay $0x1  }
0x75: {  	v4 =	vmul.f32 v4, v3;
	_ =	sdelay $0x1  }
0x76: {  	v4 =	vsub.f32 $1.500000000e+00, v4;
	_ =	sdelay $0x1  }
0x77: {  	v3 =	vmul.f32 v4, v3  }
0x78: {  	vm0 =	vgt.f32 v2, $0.0e+00  }
0x79: {  	v2 =	vnsel vm0, $0x0, v3  }
0x7a: {  	[tilespmem:s0+$0x1D970] =	vst v2  }
0x7b: {  	s1 =	simm.s32 $0x0;
	_ =	strace $0x9000004A  }
0x7c: {  	s7 =	simm.s32 $0x0;
	s0 =	simm.s32 $0x0;
	_ =	strace $0x8000004B  }
.LBB2_14:
0x7d: {  	s12 =	sshll.u32 s7, $0x7  }
0x7e: {  	s12 =	sadd.s32 s5, s12  }
0x7f: {  	s13 =	sshll.u32 s12, $0x2  }
0x80: {  	s29 =	sadd.s32 $0x0, s1;
	s12 =	sadd.s32 s13, s8  }
0x81: {  	v3 =	vmov s29;
	[tilespmem:s21], [sflag:$0x3] =	stream.linear.gather [hbm4b:s12+s0], $0x1000, $0x200038;
	[tilespmem:$0x1F5F0] =	vst v63  }
0x82: {  	_ =	swait.ge [sflag:s17], $0x1000  }
0x83: {  	[sflag:s17] =	ssyncset.done $0x0  }
0x84: {  	s12 =	simm.s32 $0x1B780;
	[sflag:s17] =	ssyncadd.s32 $0xFFFFF000  }
0x85: {  	v2 =	vld [tilespmem:s12+$0xFFFFEFF0]  }
0x86: {  	v3 =	vld.idx.msk [tilespmem:v3+s18+$0x0], $0xffff  }
0x87: {  	v4 =	vld [tilespmem:s12+$0xFFFFF000];
	_ =	sdelay $0x2  }
0x88: {  	s31 =	simm.s32 $0x2;
	s30 =	simm.s32 $0x1B780;
	s29 =	sadd.s32 $0x1, s1  }
.LBB2_15:
0x89: {  	p0 =	sne.s32 s31, $0x7F;
	v5 =	vmov s29  }
0x8a: {  	v2 =	vmul.f32 v2, v3;
	v3 =	vmul.f32 v4, v3;
	_ =	sdelay $0x1  }
0x8b: {  	s30 =	sadd.s32 $0x20, s30;
	[tilespmem:s12+$0xFFFFFFF0] =	vst v2  }
0x8c: {  	v2 =	vld [tilespmem:s30+$0xFFFFEFF0];
	[tilespmem:s12+$0x0] =	vst v3;
	s12 =	smov.u32 s30  }
.Ltmp6:
0x8d: {  	v3 =	vld.idx.msk [tilespmem:v5+s18+$0x0], $0xffff;
	(pc) =	sbr.rel @p0 .LBB2_15-.Ltmp6, $2  }
0x8e: {  	v4 =	vld [tilespmem:s30+$0xFFFFF000];
	_ =	sdelay $0x2  }
0x8f: {  	s29 =	sadd.s32 s31, s1;
	s31 =	sadd.s32 $0x1, s31  }
0x90: {  	v5 =	vmov s29  }
0x91: {  	v2 =	vmul.f32 v2, v3  }
0x92: {  	v3 =	vmul.f32 v4, v3  }
0x93: {  	s30 =	sadd.s32 $0x20, s30;
	[tilespmem:s12+$0xFFFFFFF0] =	vst v2  }
0x94: {  	v2 =	vld [tilespmem:s30+$0xFFFFEFF0];
	[tilespmem:s12+$0x0] =	vst v3  }
0x95: {  	v3 =	vld.idx.msk [tilespmem:v5+s18+$0x0], $0xffff  }
0x96: {  	v63 =	vld [tilespmem:s30+$0xFFFFF000];
	_ =	sdelay $0x3  }
0x97: {  	v2 =	vmul.f32 v2, v3  }
0x98: {  	s7 =	sadd.s32 $0x1, s7;
	v3 =	vmul.f32 v63, v3  }
0x99: {  	p0 =	sne.s32 s7, $0x19;
	[tilespmem:s30+$0xFFFFFFF0] =	vst v2  }
.Ltmp7:
0x9a: {  	s31 =	sadd.s32 s13, s9;
	[tilespmem:s30+$0x0] =	vst v3;
	(pc) =	sbr.rel @p0 .LBB2_14-.Ltmp7, $4  }
0x9b: {  	[hbm4b:s31+s4] =	stream.linear.scatter [tilespmem:s22], [sflag:$0x3], $0x1000, $0x200038;
	[tilespmem:$0x1F5F0] =	vst v63  }
0x9c: {  	_ =	swait.ge [sflag:s17], $0x1000  }
0x9d: {  	[sflag:s17] =	ssyncset.done $0x0  }
0x9e: {  	s1 =	sadd.s32 $0x80, s1;
	[sflag:s17] =	ssyncadd.s32 $0xFFFFF000  }
0x9f: {  	[bflag:$0x0] =	sbarrier.arrive $0xFFFF  }
0xa0: {  	_ =	strace $0x9000004B  }
0xa1: {  	s0 =	sadd.s32 $0x0, s15;
	_ =	strace $0x8000004C  }
0xa2: {  	[tilespmem:s23], [sflag:$0x3] =	stream.linear.gather [hbm4b:s0+s4], $0x190, $0x200038;
	[tilespmem:$0x1F5F0] =	vst v63  }
0xa3: {  	_ =	swait.ge [sflag:s17], $0x190  }
0xa4: {  	[sflag:s17] =	ssyncset.done $0x0  }
0xa5: {  	s31 =	sadd.s32 $0x0, s14;
	[sflag:s17] =	ssyncadd.s32 $0xFFFFFE70  }
0xa6: {  	[tilespmem:s24], [sflag:$0x3] =	stream.linear.gather [hbm4b:s31+s4], $0x190, $0x200038;
	[tilespmem:$0x1F5F0] =	vst v63  }
0xa7: {  	_ =	swait.ge [sflag:s17], $0x190  }
0xa8: {  	[sflag:s17] =	ssyncset.done $0x0  }
0xa9: {  	[sflag:s17] =	ssyncadd.s32 $0xFFFFFE70  }
0xaa: {  	[tilespmem:s21], [sflag:$0x1] =	stream.indirect.gather [hbm4b:s9+s25], $0x20, s23, s25, $0x2000b8;
	[tilespmem:$0x1F5F0] =	vst v63  }
0xab: {  	_ =	swait.ge [sflag:s26], $0x3200  }
0xac: {  	[sflag:s26] =	ssyncset.done $0x0  }
0xad: {  	[sflag:s26] =	ssyncadd.s32 $0xFFFFCE00  }
0xae: {  	[spmem:s2] =	stream.indirect.scatter.add.f32 [tilespmem:s21], [sflag:$0x2], $0x20, s24, s25, $0x2000b8;
	[tilespmem:$0x1F5F0] =	vst v63  }
0xaf: {  	_ =	swait.ge [sflag:s28], $0x3200  }
0xb0: {  	s1 =	simm.s32 $0x64;
	s0 =	simm.s32 $0x32;
	[sflag:s28] =	ssyncset.done $0x0  }
.LBB2_18:
0xb1: {  	s7 =	sadd.s32 s0, s15  }
0xb2: {  	[sflag:s28] =	ssyncadd.s32 $0xFFFFCE00;
	s12 =	smov.u32 s1;
	s13 =	sadd.s32 $0x32, s1  }
0xb3: {  	[tilespmem:s23], [sflag:$0x3] =	stream.linear.gather [hbm4b:s7+s4], $0x190, $0x200038;
	[tilespmem:$0x1F5F0] =	vst v63  }
0xb4: {  	p0 =	sne.s32 s1, $0x1838;
	_ =	swait.ge [sflag:s17], $0x190  }
0xb5: {  	[sflag:s17] =	ssyncset.done $0x0  }
0xb6: {  	s1 =	sadd.s32 s0, s14;
	s0 =	smov.u32 s12;
	[sflag:s17] =	ssyncadd.s32 $0xFFFFFE70  }
0xb7: {  	[tilespmem:s24], [sflag:$0x3] =	stream.linear.gather [hbm4b:s1+s4], $0x190, $0x200038;
	[tilespmem:$0x1F5F0] =	vst v63  }
0xb8: {  	_ =	swait.ge [sflag:s17], $0x190  }
0xb9: {  	[sflag:s17] =	ssyncset.done $0x0  }
0xba: {  	[sflag:s17] =	ssyncadd.s32 $0xFFFFFE70  }
0xbb: {  	[tilespmem:s21], [sflag:$0x1] =	stream.indirect.gather [hbm4b:s9+s25], $0x20, s23, s25, $0x2000b8;
	[tilespmem:$0x1F5F0] =	vst v63  }
0xbc: {  	_ =	swait.ge [sflag:s26], $0x3200  }
.Ltmp8:
0xbd: {  	[sflag:s26] =	ssyncset.done $0x0;
	(pc) =	sbr.rel @p0 .LBB2_18-.Ltmp8, $4  }
0xbe: {  	[sflag:s26] =	ssyncadd.s32 $0xFFFFCE00  }
0xbf: {  	[spmem:s2] =	stream.indirect.scatter.add.f32 [tilespmem:s21], [sflag:$0x2], $0x20, s24, s25, $0x2000b8;
	[tilespmem:$0x1F5F0] =	vst v63  }
0xc0: {  	_ =	swait.ge [sflag:s28], $0x3200  }
0xc1: {  	s1 =	smov.u32 s13;
	[sflag:s28] =	ssyncset.done $0x0  }
0xc2: {  	s1 =	sadd.s32 s0, s15;
	[sflag:s28] =	ssyncadd.s32 $0xFFFFCE00  }
0xc3: {  	[tilespmem:s23], [sflag:$0x3] =	stream.linear.gather [hbm4b:s1+s4], $0x190, $0x200038;
	[tilespmem:$0x1F5F0] =	vst v63  }
0xc4: {  	_ =	swait.ge [sflag:s17], $0x190  }
0xc5: {  	[sflag:s17] =	ssyncset.done $0x0  }
0xc6: {  	s31 =	sadd.s32 s0, s14;
	[sflag:s17] =	ssyncadd.s32 $0xFFFFFE70  }
0xc7: {  	[tilespmem:s24], [sflag:$0x3] =	stream.linear.gather [hbm4b:s31+s4], $0x190, $0x200038;
	[tilespmem:$0x1F5F0] =	vst v63  }
0xc8: {  	_ =	swait.ge [sflag:s17], $0x190  }
0xc9: {  	[sflag:s17] =	ssyncset.done $0x0  }
0xca: {  	[sflag:s17] =	ssyncadd.s32 $0xFFFFFE70  }
0xcb: {  	[tilespmem:s21], [sflag:$0x1] =	stream.indirect.gather [hbm4b:s9+s25], $0x20, s23, s25, $0x2000b8;
	[tilespmem:$0x1F5F0] =	vst v63  }
0xcc: {  	_ =	swait.ge [sflag:s26], $0x3200  }
0xcd: {  	[sflag:s26] =	ssyncset.done $0x0  }
0xce: {  	[sflag:s26] =	ssyncadd.s32 $0xFFFFCE00  }
0xcf: {  	[spmem:s2] =	stream.indirect.scatter.add.f32 [tilespmem:s21], [sflag:$0x2], $0x20, s24, s25, $0x2000b8;
	[tilespmem:$0x1F5F0] =	vst v63  }
0xd0: {  	_ =	swait.ge [sflag:s28], $0x3200  }
0xd1: {  	[sflag:s28] =	ssyncset.done $0x0  }
0xd2: {  	[sflag:s28] =	ssyncadd.s32 $0xFFFFCE00  }
0xd3: {  	[bflag:$0x0] =	sbarrier.arrive $0xFFFF  }
0xd4: {  	_ =	strace $0x9000004C  }
0xd5: {  	s0 =	simm.s32 $0x0;
	s1 =	simm.s32 $0x0;
	_ =	strace $0x8000004D  }
.LBB2_20:
0xd6: {  	s7 =	sshll.u32 s1, $0x7  }
0xd7: {  	s7 =	sadd.s32 s5, s7  }
0xd8: {  	s12 =	sshll.u32 s7, $0x5  }
0xd9: {  	s12 =	sand.u32 $0x3FFFFFE0, s12  }
0xda: {  	s12 =	sadd.s32 s12, s2  }
0xdb: {  	[tilespmem:s21], [sflag:$0x3] =	stream.linear.gather [spmem:s12], $0x1000, $0x200038;
	[tilespmem:$0x1F5F0] =	vst v63  }
0xdc: {  	_ =	swait.ge [sflag:s17], $0x1000  }
0xdd: {  	[sflag:s17] =	ssyncset.done $0x0  }
0xde: {  	s13 =	sadd.s32 $0x0, s0;
	[sflag:s17] =	ssyncadd.s32 $0xFFFFF000  }
0xdf: {  	v2 =	vmov s13;
	[spmem:s12] =	stream.linear.scatter [tilespmem:s16], [sflag:$0x3], $0x1000, $0x200038;
	[tilespmem:$0x1F5F0] =	vst v63  }
0xe0: {  	_ =	swait.ge [sflag:s17], $0x1000  }
0xe1: {  	[sflag:s17] =	ssyncset.done $0x0  }
0xe2: {  	s13 =	simm.s32 $0x1B780;
	[sflag:s17] =	ssyncadd.s32 $0xFFFFF000  }
0xe3: {  	v3 =	vld [tilespmem:s13+$0xFFFFEFF0]  }
0xe4: {  	v2 =	vld.idx.msk [tilespmem:v2+s18+$0x0], $0xffff  }
0xe5: {  	v5 =	vld [tilespmem:s13+$0xFFFFF000];
	_ =	sdelay $0x4  }
0xe6: {  	s31 =	sadd.s32 $0x1, s0;
	s30 =	simm.s32 $0x2;
	s12 =	simm.s32 $0x1B780;
	v4 =	vmul.f32 v3, v2;
	v3 =	vmul.f32 v5, v2  }
.LBB2_21:
0xe7: {  	p0 =	sne.s32 s30, $0x7F;
	v5 =	vmov s31  }
0xe8: {  	[tilespmem:s13+$0xFFFFFFF0] =	vst v4;
	v4 =	vmul.f32 v4, v2;
	v2 =	vmul.f32 v3, v2  }
0xe9: {  	[tilespmem:s13+$0x0] =	vst v3  }
0xea: {  	s13 =	sadd.s32 $0x20, s13;
	[tilespmem:s12+$0xFF0] =	vst v4  }
0xeb: {  	v3 =	vld [tilespmem:s13+$0xFFFFEFF0];
	[tilespmem:s12+$0x1000] =	vst v2;
	s12 =	smov.u32 s13  }
0xec: {  	v2 =	vld.idx.msk [tilespmem:v5+s18+$0x0], $0xffff  }
0xed: {  	v5 =	vld [tilespmem:s13+$0xFFFFF000]  }
.Ltmp9:
0xee: {  	(pc) =	sbr.rel @p0 .LBB2_21-.Ltmp9, $2  }
0xef: {  	_ =	sdelay $0x2  }
0xf0: {  	s31 =	sadd.s32 s30, s0;
	s30 =	sadd.s32 $0x1, s30;
	v4 =	vmul.f32 v3, v2;
	v3 =	vmul.f32 v5, v2  }
0xf1: {  	v5 =	vmov s31  }
0xf2: {  	[tilespmem:s13+$0xFFFFFFF0] =	vst v4;
	v62 =	vmul.f32 v4, v2  }
0xf3: {  	v2 =	vmul.f32 v3, v2;
	[tilespmem:s13+$0x0] =	vst v3  }
0xf4: {  	s29 =	sadd.s32 $0x20, s13;
	[tilespmem:s12+$0xFF0] =	vst v62  }
0xf5: {  	v3 =	vld [tilespmem:s29+$0xFFFFEFF0];
	[tilespmem:s12+$0x1000] =	vst v2  }
0xf6: {  	v2 =	vld.idx.msk [tilespmem:v5+s18+$0x0], $0xffff  }
0xf7: {  	v63 =	vld [tilespmem:s29+$0xFFFFF000];
	_ =	sdelay $0x3  }
0xf8: {  	v3 =	vmul.f32 v3, v2  }
0xf9: {  	v4 =	vmul.f32 v63, v2  }
0xfa: {  	[tilespmem:s29+$0xFFFFFFF0] =	vst v3;
	v3 =	vmul.f32 v3, v2  }
0xfb: {  	v2 =	vmul.f32 v4, v2;
	[tilespmem:s29+$0x0] =	vst v4  }
0xfc: {  	s7 =	sshll.u32 s7, $0x2;
	[tilespmem:s29+$0xFF0] =	vst v3  }
0xfd: {  	s30 =	sadd.s32 s7, s10;
	[tilespmem:s29+$0x1000] =	vst v2  }
0xfe: {  	[hbm4b:s30+s4] =	stream.linear.scatter [tilespmem:s22], [sflag:$0x3], $0x1000, $0x200038;
	[tilespmem:$0x1F5F0] =	vst v63  }
0xff: {  	s1 =	sadd.s32 $0x1, s1;
	_ =	swait.ge [sflag:s17], $0x1000  }
0x100: {  	s31 =	simm.s32 $0x1C770;
	p0 =	sne.s32 s1, $0x19;
	[sflag:s17] =	ssyncset.done $0x0  }
.Ltmp10:
0x101: {  	s7 =	sadd.s32 s7, s11;
	[sflag:s17] =	ssyncadd.s32 $0xFFFFF000;
	(pc) =	sbr.rel @p0 .LBB2_20-.Ltmp10, $4  }
0x102: {  	[hbm4b:s7+s4] =	stream.linear.scatter [tilespmem:s31], [sflag:$0x3], $0x1000, $0x200038;
	[tilespmem:$0x1F5F0] =	vst v63  }
0x103: {  	_ =	swait.ge [sflag:s17], $0x1000  }
0x104: {  	[sflag:s17] =	ssyncset.done $0x0  }
0x105: {  	s0 =	sadd.s32 $0x80, s0;
	[sflag:s17] =	ssyncadd.s32 $0xFFFFF000  }
0x106: {  	[bflag:$0x0] =	sbarrier.arrive $0xFFFF  }
0x107: {  	_ =	strace $0x9000004D  }
0x108: {  	s0 =	sadd.s32 $0x0, s15;
	_ =	strace $0x8000004E  }
0x109: {  	[tilespmem:s23], [sflag:$0x3] =	stream.linear.gather [hbm4b:s0+s4], $0x190, $0x200038;
	[tilespmem:$0x1F5F0] =	vst v63  }
0x10a: {  	_ =	swait.ge [sflag:s17], $0x190  }
0x10b: {  	[sflag:s17] =	ssyncset.done $0x0  }
0x10c: {  	s31 =	sadd.s32 $0x0, s14;
	[sflag:s17] =	ssyncadd.s32 $0xFFFFFE70  }
0x10d: {  	[tilespmem:s24], [sflag:$0x3] =	stream.linear.gather [hbm4b:s31+s4], $0x190, $0x200038;
	[tilespmem:$0x1F5F0] =	vst v63  }
0x10e: {  	_ =	swait.ge [sflag:s17], $0x190  }
0x10f: {  	[sflag:s17] =	ssyncset.done $0x0  }
0x110: {  	[sflag:s17] =	ssyncadd.s32 $0xFFFFFE70  }
0x111: {  	[tilespmem:s21], [sflag:$0x1] =	stream.indirect.gather [hbm4b:s11+s25], $0x20, s23, s25, $0x2000b8;
	[tilespmem:$0x1F5F0] =	vst v63  }
0x112: {  	_ =	swait.ge [sflag:s26], $0x3200  }
0x113: {  	[sflag:s26] =	ssyncset.done $0x0  }
0x114: {  	[sflag:s26] =	ssyncadd.s32 $0xFFFFCE00  }
0x115: {  	[spmem:s2] =	stream.indirect.scatter.add.f32 [tilespmem:s21], [sflag:$0x2], $0x20, s24, s25, $0x2000b8;
	[tilespmem:$0x1F5F0] =	vst v63  }
0x116: {  	_ =	swait.ge [sflag:s28], $0x3200  }
0x117: {  	s1 =	simm.s32 $0x64;
	s0 =	simm.s32 $0x32;
	[sflag:s28] =	ssyncset.done $0x0  }
.LBB2_24:
0x118: {  	s7 =	sadd.s32 s0, s15  }
0x119: {  	[sflag:s28] =	ssyncadd.s32 $0xFFFFCE00;
	s12 =	smov.u32 s1;
	s13 =	sadd.s32 $0x32, s1  }
0x11a: {  	[tilespmem:s23], [sflag:$0x3] =	stream.linear.gather [hbm4b:s7+s4], $0x190, $0x200038;
	[tilespmem:$0x1F5F0] =	vst v63  }
0x11b: {  	p0 =	sne.s32 s1, $0x1838;
	_ =	swait.ge [sflag:s17], $0x190  }
0x11c: {  	[sflag:s17] =	ssyncset.done $0x0  }
0x11d: {  	s1 =	sadd.s32 s0, s14;
	s0 =	smov.u32 s12;
	[sflag:s17] =	ssyncadd.s32 $0xFFFFFE70  }
0x11e: {  	[tilespmem:s24], [sflag:$0x3] =	stream.linear.gather [hbm4b:s1+s4], $0x190, $0x200038;
	[tilespmem:$0x1F5F0] =	vst v63  }
0x11f: {  	_ =	swait.ge [sflag:s17], $0x190  }
0x120: {  	[sflag:s17] =	ssyncset.done $0x0  }
0x121: {  	[sflag:s17] =	ssyncadd.s32 $0xFFFFFE70  }
0x122: {  	[tilespmem:s21], [sflag:$0x1] =	stream.indirect.gather [hbm4b:s11+s25], $0x20, s23, s25, $0x2000b8;
	[tilespmem:$0x1F5F0] =	vst v63  }
0x123: {  	_ =	swait.ge [sflag:s26], $0x3200  }
.Ltmp11:
0x124: {  	[sflag:s26] =	ssyncset.done $0x0;
	(pc) =	sbr.rel @p0 .LBB2_24-.Ltmp11, $4  }
0x125: {  	[sflag:s26] =	ssyncadd.s32 $0xFFFFCE00  }
0x126: {  	[spmem:s2] =	stream.indirect.scatter.add.f32 [tilespmem:s21], [sflag:$0x2], $0x20, s24, s25, $0x2000b8;
	[tilespmem:$0x1F5F0] =	vst v63  }
0x127: {  	_ =	swait.ge [sflag:s28], $0x3200  }
0x128: {  	s1 =	smov.u32 s13;
	[sflag:s28] =	ssyncset.done $0x0  }
0x129: {  	s1 =	sadd.s32 s0, s15;
	[sflag:s28] =	ssyncadd.s32 $0xFFFFCE00  }
0x12a: {  	[tilespmem:s23], [sflag:$0x3] =	stream.linear.gather [hbm4b:s1+s4], $0x190, $0x200038;
	[tilespmem:$0x1F5F0] =	vst v63  }
0x12b: {  	_ =	swait.ge [sflag:s17], $0x190  }
0x12c: {  	[sflag:s17] =	ssyncset.done $0x0  }
0x12d: {  	s30 =	sadd.s32 s0, s14;
	[sflag:s17] =	ssyncadd.s32 $0xFFFFFE70  }
0x12e: {  	[tilespmem:s24], [sflag:$0x3] =	stream.linear.gather [hbm4b:s30+s4], $0x190, $0x200038;
	[tilespmem:$0x1F5F0] =	vst v63  }
0x12f: {  	_ =	swait.ge [sflag:s17], $0x190  }
0x130: {  	[sflag:s17] =	ssyncset.done $0x0  }
0x131: {  	[sflag:s17] =	ssyncadd.s32 $0xFFFFFE70  }
0x132: {  	[tilespmem:s21], [sflag:$0x1] =	stream.indirect.gather [hbm4b:s11+s25], $0x20, s23, s25, $0x2000b8;
	[tilespmem:$0x1F5F0] =	vst v63  }
0x133: {  	_ =	swait.ge [sflag:s26], $0x3200  }
0x134: {  	[sflag:s26] =	ssyncset.done $0x0  }
0x135: {  	[sflag:s26] =	ssyncadd.s32 $0xFFFFCE00  }
0x136: {  	[spmem:s2] =	stream.indirect.scatter.add.f32 [tilespmem:s21], [sflag:$0x2], $0x20, s24, s25, $0x2000b8;
	[tilespmem:$0x1F5F0] =	vst v63  }
0x137: {  	_ =	swait.ge [sflag:s28], $0x3200  }
0x138: {  	[sflag:s28] =	ssyncset.done $0x0  }
0x139: {  	[sflag:s28] =	ssyncadd.s32 $0xFFFFCE00  }
0x13a: {  	[bflag:$0x0] =	sbarrier.arrive $0xFFFF  }
0x13b: {  	s31 =	simm.s32 $0x0;
	_ =	strace $0x9000004E  }
0x13c: {  	s0 =	simm.s32 $0x0;
	s1 =	simm.s32 $0x0;
	_ =	strace $0x8000004F  }
.LBB2_26:
0x13d: {  	s7 =	sshll.u32 s1, $0x7  }
0x13e: {  	s12 =	sadd.s32 s5, s7  }
0x13f: {  	s7 =	sshll.u32 s12, $0x5  }
0x140: {  	s7 =	sand.u32 $0x3FFFFFE0, s7  }
0x141: {  	s13 =	sadd.s32 s7, s2;
	s7 =	simm.s32 $0x1A770  }
0x142: {  	[tilespmem:s7], [sflag:$0x3] =	stream.linear.gather [spmem:s13], $0x1000, $0x200038;
	[tilespmem:$0x1F5F0] =	vst v63  }
0x143: {  	_ =	swait.ge [sflag:s17], $0x1000  }
0x144: {  	s13 =	sshll.u32 s12, $0x2;
	[sflag:s17] =	ssyncset.done $0x0  }
0x145: {  	s12 =	sadd.s32 s13, s8;
	[sflag:s17] =	ssyncadd.s32 $0xFFFFF000  }
0x146: {  	[tilespmem:s22], [sflag:$0x3] =	stream.linear.gather [hbm4b:s12+s31], $0x1000, $0x200038;
	[tilespmem:$0x1F5F0] =	vst v63  }
0x147: {  	_ =	swait.ge [sflag:s17], $0x1000  }
0x148: {  	[sflag:s17] =	ssyncset.done $0x0  }
0x149: {  	s29 =	simm.s32 $0x1C770;
	s12 =	sadd.s32 s13, s10;
	[sflag:s17] =	ssyncadd.s32 $0xFFFFF000  }
0x14a: {  	[tilespmem:s29], [sflag:$0x3] =	stream.linear.gather [hbm4b:s12+s31], $0x1000, $0x200038;
	[tilespmem:$0x1F5F0] =	vst v63  }
0x14b: {  	_ =	swait.ge [sflag:s17], $0x1000  }
0x14c: {  	[sflag:s17] =	ssyncset.done $0x0  }
0x14d: {  	s29 =	sadd.s32 $0x0, s0;
	[sflag:s17] =	ssyncadd.s32 $0xFFFFF000  }
0x14e: {  	v2 =	vmov s29;
	v3 =	vld [tilespmem:s7+$0x2010]  }
0x14f: {  	v4 =	vld [tilespmem:s7+$0x1010]  }
0x150: {  	v5 =	vld [tilespmem:s7+$0x2000]  }
0x151: {  	v6 =	vld [tilespmem:s7+$0x1000]  }
0x152: {  	v7 =	vld [tilespmem:s7+$0x0]  }
0x153: {  	v2 =	vld.idx.msk [tilespmem:v2+s18+$0x0], $0xffff  }
0x154: {  	v8 =	vld [tilespmem:s7+$0x10];
	_ =	sdelay $0x3  }
0x155: {  	v3 =	vadd.f32 v3, v4;
	v4 =	vadd.f32 v5, v6;
	v5 =	vmul.f32 v7, v2  }
0x156: {  	v2 =	vmul.f32 v8, v2  }
0x157: {  	s30 =	simm.s32 $0x1A790;
	s29 =	sadd.s32 $0x1, s0;
	v4 =	vadd.f32 v4, v5  }
0x158: {  	v6 =	vadd.f32 v3, v2;
	v2 =	vld [tilespmem:s30+$0x2010];
	v5 =	vmov s29  }
0x159: {  	v3 =	vld [tilespmem:s30+$0x1010];
	v7 =	vmul.f32 $3.333333430e-01, v4  }
0x15a: {  	s12 =	simm.s32 $0x2;
	v6 =	vmul.f32 $3.333333430e-01, v6;
	v4 =	vld [tilespmem:s30+$0x2000]  }
.LBB2_27:
0x15b: {  	p0 =	sne.s32 s12, $0x7F;
	v8 =	vld [tilespmem:s30+$0x1000];
	[tilespmem:s7+$0x0] =	vst v7;
	s29 =	smov.u32 s12;
	s12 =	sadd.s32 $0x1, s12  }
0x15c: {  	v7 =	vld [tilespmem:s30+$0x0];
	[tilespmem:s7+$0x10] =	vst v6;
	s7 =	smov.u32 s30  }
0x15d: {  	v5 =	vld.idx.msk [tilespmem:v5+s18+$0x0], $0xffff  }
0x15e: {  	v6 =	vld [tilespmem:s30+$0x10];
	_ =	sdelay $0x3  }
0x15f: {  	v2 =	vadd.f32 v2, v3  }
0x160: {  	v3 =	vadd.f32 v4, v8;
	v4 =	vmul.f32 v7, v5;
	v5 =	vmul.f32 v6, v5  }
.Ltmp12:
0x161: {  	(pc) =	sbr.rel @p0 .LBB2_27-.Ltmp12, $4  }
0x162: {  	s29 =	sadd.s32 s29, s0;
	s30 =	sadd.s32 $0x20, s30;
	v4 =	vadd.f32 v3, v4;
	v6 =	vadd.f32 v2, v5  }
0x163: {  	v5 =	vmov s29;
	v2 =	vld [tilespmem:s30+$0x2010]  }
0x164: {  	v7 =	vmul.f32 $3.333333430e-01, v4;
	v3 =	vld [tilespmem:s30+$0x1010];
	v6 =	vmul.f32 $3.333333430e-01, v6  }
0x165: {  	v4 =	vld [tilespmem:s30+$0x2000]  }
0x166: {  	_ =	sdelay $0x1  }
0x167: {  	[tilespmem:s7+$0x0] =	vst v7;
	v8 =	vld [tilespmem:s30+$0x1000]  }
0x168: {  	v7 =	vld [tilespmem:s30+$0x0];
	[tilespmem:s7+$0x10] =	vst v6  }
0x169: {  	v5 =	vld.idx.msk [tilespmem:v5+s18+$0x0], $0xffff  }
0x16a: {  	v6 =	vld [tilespmem:s30+$0x10];
	_ =	sdelay $0x3  }
0x16b: {  	v4 =	vadd.f32 v4, v8;
	v7 =	vmul.f32 v7, v5  }
0x16c: {  	v2 =	vadd.f32 v2, v3;
	v3 =	vmul.f32 v6, v5  }
0x16d: {  	v4 =	vadd.f32 v4, v7  }
0x16e: {  	v2 =	vadd.f32 v2, v3  }
0x16f: {  	v3 =	vmul.f32 $3.333333430e-01, v4  }
0x170: {  	v2 =	vmul.f32 $3.333333430e-01, v2  }
0x171: {  	s1 =	sadd.s32 $0x1, s1;
	[tilespmem:s30+$0x0] =	vst v3  }
0x172: {  	p0 =	sne.s32 s1, $0x19;
	[tilespmem:s30+$0x10] =	vst v2;
	s30 =	rddreg [dreg:$0x6]  }
.Ltmp13:
0x173: {  	s7 =	sadd.s32 s13, s30;
	(pc) =	sbr.rel @p0 .LBB2_26-.Ltmp13, $4  }
0x174: {  	[hbm4b:s7+s4] =	stream.linear.scatter [tilespmem:s21], [sflag:$0x3], $0x1000, $0x200038;
	[tilespmem:$0x1F5F0] =	vst v63  }
0x175: {  	_ =	swait.ge [sflag:s17], $0x1000  }
0x176: {  	[sflag:s17] =	ssyncset.done $0x0  }
0x177: {  	s0 =	sadd.s32 $0x80, s0;
	[sflag:s17] =	ssyncadd.s32 $0xFFFFF000  }
0x178: {  	s1 =	rddreg [dreg:$0x8]  }
0x179: {  	s0 =	rddreg [dreg:$0x7];
	s1 =	sadd.s32 $0x1, s1  }
0x17a: {  	p0 =	sne.s32 s1, s0  }
.Ltmp14:
0x17b: {  	_ = 	snop;
	(pc) =	sbr.rel @p0 .LBB2_1-.Ltmp14, $3  }
0x17c: {  	_ =	sdelay $0x1  }
0x17d: {  	_ =	strace $0x9000004F  }
0x17e: {  	s29 =	rddreg [dreg:$0x5]  }
0x17f: {  	_ =	sfence.sel $0x180000  }
0x180: {  	[bflag:$0x0] =	sbarrier.arrive $0xFFFF  }
0x181: {  	_ =	strace $0x90000047  }
0x182: {  	s0 =	stileid.u32;
	[bflag:$0x2] =	sbarrier.arrive $0xFFFF  }
0x183: {  	p0 =	sne.s32 s0, $0x0;
	s0 =	rddreg [dreg:$0x4]  }
0x184: {  	s0 =	sadd.s32 @!p0 $0x100000, s0  }
0x185: {  	[sflag:s0] =	ssyncadd.tile.s32 @!p0 $0x1;
	_ =	shalt  }
.Lfunc_end2:
_tile_overlayer_lowered:
.L_overlay_start_2:
0x186: {  	(tag) =	ssettag $0x2  }
0x187: {  	s0 =	rddreg [dreg:$0x0];
	s2 =	stileid.u32  }
0x188: {  	s1 =	rddreg [dreg:$0x1];
	p0 =	sne.s32 s2, $0x0  }
0x189: {  	s3 =	rddreg [dreg:$0x2];
	[bflag:$0x3] =	sbarrier.arrive $0xFFFF;
	s2 =	simm.s32 @!p0 $0x1C03  }
0x18a: {  	[timem:s3], [sflag:s2] =	dma.local @!p0 [hbm:s0], s1  }
0x18b: {  	s0 =	simm.s32 @!p0 $0x3  }
0x18c: {  	_ =	swait.ge @!p0 [sflag:s0], s1  }
0x18d: {  	s1 =	ssub.s32 @!p0 $0x0, s1;
	[sflag:s0] =	ssyncset.done @!p0 $0x0  }
0x18e: {  	[sflag:s0] =	ssyncadd.s32 @!p0 s1  }
0x18f: {  	[bflag:$0x3] =	sbarrier.arrive $0xFFFF  }
0x190: {  	_ =	shalt  }

</sc_bundles>
